<compile_context>
chip_gen: v7x
topology: tpu7x:2x2x1
jax: 0.10.2.dev20260603
libtpu: 0.0.44.dev20260713+nightly
codegen_flags: <defaults>
</compile_context>

<pallas_src>
import functools

import jax
import jax.numpy as jnp
from jax.experimental import pallas as pl
from jax.experimental.pallas import tpu as pltpu
from jax.experimental.pallas import tpu_sc as plsc


def _gelu(x):
    return x * 0.5 * (1.0 + jax.lax.erf(x * 0.7071067811865476))


def _sc_fps(flat_pts, B, N, S):
    mesh = plsc.VectorSubcoreMesh(core_axis_name="c", subcore_axis_name="s")
    N2 = N // 2

    @functools.partial(
        pl.kernel,
        out_type=jax.ShapeDtypeStruct((B * S * 16,), jnp.float32),
        mesh=mesh,
        compiler_params=pltpu.CompilerParams(needs_layout_passes=False),
        scratch_types=[
            pltpu.VMEM((N2,), jnp.float32),
            pltpu.VMEM((N2,), jnp.float32),
            pltpu.VMEM((N2,), jnp.float32),
            pltpu.VMEM((N2,), jnp.float32),
            pltpu.VMEM((S * 16,), jnp.float32),
            pltpu.VMEM((16,), jnp.float32),
            pltpu.VMEM((16,), jnp.float32),
            pltpu.VMEM_SHARED((2 * 16 * 16,), jnp.float32),
        ],
    )
    def fps_kernel(pts_hbm, out_hbm, px, py, pz, mind, sel, pub, oth, xch):
        cid = jax.lax.axis_index("c")
        sid = jax.lax.axis_index("s")
        b = cid * 8 + sid // 2
        half = sid % 2
        hbase = half * N2

        pltpu.sync_copy(pts_hbm.at[pl.ds((3 * b + 0) * N + hbase, N2)], px)
        pltpu.sync_copy(pts_hbm.at[pl.ds((3 * b + 1) * N + hbase, N2)], py)
        pltpu.sync_copy(pts_hbm.at[pl.ds((3 * b + 2) * N + hbase, N2)], pz)

        inf16 = jnp.full((16,), jnp.inf, jnp.float32)
        ninf = jnp.float32(-jnp.inf)

        def init_body(i, carry):
            mind[pl.ds(i * 16, 16)] = inf16
            return carry

        jax.lax.fori_loop(0, N2 // 16, init_body, 0)

        lane = jax.lax.iota(jnp.int32, 16)
        zidx = jnp.zeros((16,), jnp.int32)

        def lane_splat(v, k):
            return jnp.take_along_axis(v, jnp.full((16,), k, jnp.int32),
                                       axis=0)

        def fetch_splat(ref, idx):
            sl = ref[pl.ds((idx // 16) * 16, 16)]
            return jnp.take_along_axis(
                sl, jnp.full((16,), idx % 16, jnp.int32), axis=0)

        def pack(gmaxv, sxv, syv, szv, gidxv):
            v = jnp.where(lane == 1, sxv, gmaxv)
            v = jnp.where(lane == 2, syv, v)
            v = jnp.where(lane == 3, szv, v)
            return jnp.where(lane == 4, plsc.bitcast(gidxv, jnp.float32), v)

        def exchange(par, gmaxv, gidxv, cand):
            pub[pl.ds(0, 16)] = cand
            base = par * (16 * 16)
            pltpu.sync_copy(pub, xch.at[pl.ds(base + sid * 16, 16)])
            plsc.subcore_barrier()
            pltpu.sync_copy(xch.at[pl.ds(base + (sid ^ 1) * 16, 16)], oth)
            ov = oth[pl.ds(0, 16)]
            omax = lane_splat(ov, 0)
            oidx = plsc.bitcast(lane_splat(ov, 4), jnp.int32)
            takeo = (omax > gmaxv) | ((omax == gmaxv) & (oidx < gidxv))
            w = jnp.where(takeo, ov, cand)
            return (w, lane_splat(w, 1), lane_splat(w, 2), lane_splat(w, 3))

        g0 = jnp.full((16,), jnp.where(half == 0, jnp.float32(jnp.inf), ninf))
        gi0 = jnp.full((16,), hbase)
        wvec, sx, sy, sz = exchange(
            jnp.int32(1), g0, gi0,
            pack(g0,
                 fetch_splat(px, jnp.int32(0)),
                 fetch_splat(py, jnp.int32(0)),
                 fetch_splat(pz, jnp.int32(0)),
                 gi0),
        )

        U = 8

        def step(t, carry):
            wvec, sx, sy, sz = carry

            @pl.when(half == 0)
            def _():
                sel[pl.ds(t * 16, 16)] = wvec

            accs0 = tuple((jnp.full((16,), ninf), zidx) for _ in range(U))

            @plsc.parallel_loop(0, N2 // (16 * U), carry=accs0)
            def accs(i, accs_in):
                base = i * (16 * U)
                out = []
                for k in range(U):
                    vmax, vidx = accs_in[k]
                    sl = pl.ds(base + 16 * k, 16)
                    dx = px[sl] - sx
                    dy = py[sl] - sy
                    dz = pz[sl] - sz
                    d = (dx * dx + dy * dy) + dz * dz
                    m = jnp.minimum(mind[sl], d)
                    mind[sl] = m
                    upd = m > vmax
                    vmax = jnp.where(upd, m, vmax)
                    vidx = jnp.where(upd, hbase + base + 16 * k + lane, vidx)
                    out.append((vmax, vidx))
                return tuple(out)

            def comb(a, b2):
                am, ai = a
                bm, bi = b2
                takeb = (bm > am) | ((bm == am) & (bi < ai))
                return (jnp.where(takeb, bm, am), jnp.where(takeb, bi, ai))

            accs = list(accs)
            while len(accs) > 1:
                accs = [comb(accs[j], accs[j + 1])
                        for j in range(0, len(accs), 2)]
            vmax, vidx = accs[0]
            gmax = jnp.max(vmax)
            cand = jnp.where(vmax == gmax, vidx, jnp.int32(N))
            gidx = jnp.min(cand)
            lidx = gidx - hbase
            gmaxv = jnp.full((16,), gmax)
            gidxv = jnp.full((16,), gidx)
            return exchange(
                t % 2, gmaxv, gidxv,
                pack(gmaxv,
                     fetch_splat(px, lidx),
                     fetch_splat(py, lidx),
                     fetch_splat(pz, lidx),
                     gidxv),
            )

        jax.lax.fori_loop(0, S, step, (wvec, sx, sy, sz))

        @pl.when(half == 0)
        def _():
            pltpu.sync_copy(sel, out_hbm.at[pl.ds(b * S * 16, S * 16)])

    return fps_kernel(flat_pts)


def _tc_feat_sums(ptsT, W1T, b1c, W2T, b2c, B, N, CH):
    nch = N // CH

    def body(p_ref, w1_ref, b1_ref, w2_ref, b2_ref, out_ref):
        i = pl.program_id(1)

        @pl.when(i == 0)
        def _():
            out_ref[...] = jnp.zeros_like(out_ref)

        pts = p_ref[0]
        h = _gelu(jnp.dot(w1_ref[...], pts, preferred_element_type=jnp.float32)
                  + b1_ref[...])
        f = _gelu(jnp.dot(w2_ref[...], h, preferred_element_type=jnp.float32)
                  + b2_ref[...])
        out_ref[...] += jnp.sum(f, axis=1)[None, None, :]

    D = W2T.shape[0]
    return pl.pallas_call(
        body,
        grid=(B, nch),
        in_specs=[
            pl.BlockSpec((1, 3, CH), lambda b, i: (b, 0, i)),
            pl.BlockSpec((64, 3), lambda b, i: (0, 0)),
            pl.BlockSpec((64, 1), lambda b, i: (0, 0)),
            pl.BlockSpec((D, 64), lambda b, i: (0, 0)),
            pl.BlockSpec((D, 1), lambda b, i: (0, 0)),
        ],
        out_specs=pl.BlockSpec((1, 1, D), lambda b, i: (b, 0, 0)),
        out_shape=jax.ShapeDtypeStruct((B, 1, D), jnp.float32),
    )(ptsT, W1T, b1c, W2T, b2c)


def _tc_tail(sel, sums, W1, b1, W2, b2, Wf1a, Wf1b, bf1, Wf2, bf2, gamma, beta,
             B, N, S):
    D = W2.shape[1]

    def body(sel_ref, sums_ref, w1_ref, b1_ref, w2_ref, b2_ref, wa_ref, wb_ref,
             bf1_ref, wf2_ref, bf2_ref, g_ref, be_ref, out_ref):
        sp = sel_ref[0][:, 1:4]
        sums_row = sums_ref[0]
        h = _gelu(jnp.dot(sp, w1_ref[...], preferred_element_type=jnp.float32)
                  + b1_ref[...])
        f = _gelu(jnp.dot(h, w2_ref[...], preferred_element_type=jnp.float32)
                  + b2_ref[...])
        mrow = sums_row * (1.0 / N)
        ctx = jnp.dot(mrow, wb_ref[...], preferred_element_type=jnp.float32)
        pre = (jnp.dot(f, wa_ref[...], preferred_element_type=jnp.float32)
               + ctx + bf1_ref[...])
        t = (jnp.dot(_gelu(pre), wf2_ref[...], preferred_element_type=jnp.float32)
             + bf2_ref[...])
        mu = jnp.mean(t, axis=1, keepdims=True)
        c = t - mu
        var = jnp.mean(c * c, axis=1, keepdims=True)
        out_ref[0] = c / jnp.sqrt(var + 1e-5) * g_ref[...] + be_ref[...]

    return pl.pallas_call(
        body,
        grid=(B,),
        in_specs=[
            pl.BlockSpec((1, S, 16), lambda b: (b, 0, 0)),
            pl.BlockSpec((1, 1, D), lambda b: (b, 0, 0)),
            pl.BlockSpec((3, 64), lambda b: (0, 0)),
            pl.BlockSpec((1, 64), lambda b: (0, 0)),
            pl.BlockSpec((64, D), lambda b: (0, 0)),
            pl.BlockSpec((1, D), lambda b: (0, 0)),
            pl.BlockSpec((D, D), lambda b: (0, 0)),
            pl.BlockSpec((D, D), lambda b: (0, 0)),
            pl.BlockSpec((1, D), lambda b: (0, 0)),
            pl.BlockSpec((D, D), lambda b: (0, 0)),
            pl.BlockSpec((1, D), lambda b: (0, 0)),
            pl.BlockSpec((1, D), lambda b: (0, 0)),
            pl.BlockSpec((1, D), lambda b: (0, 0)),
        ],
        out_specs=pl.BlockSpec((1, S, D), lambda b: (b, 0, 0)),
        out_shape=jax.ShapeDtypeStruct((B, S, D), jnp.float32),
    )(sel, sums, W1, b1, W2, b2, Wf1a, Wf1b, bf1, Wf2, bf2, gamma, beta)


def kernel(points, W1, b1, W2, b2, Wf1, bf1, Wf2, bf2, gamma, beta):
    B, N, _ = points.shape
    S = 256
    D = W2.shape[1]

    ptsT = jnp.transpose(points, (0, 2, 1))
    flat_pts = ptsT.reshape(B * 3 * N)

    sums = _tc_feat_sums(
        ptsT, jnp.transpose(W1), b1.reshape(-1, 1),
        jnp.transpose(W2), b2.reshape(-1, 1), B, N, 2048)
    sel_flat = _sc_fps(flat_pts, B, N, S)

    sel = sel_flat.reshape(B, S, 16)
    out = _tc_tail(
        sel, sums, W1, b1.reshape(1, -1), W2, b2.reshape(1, -1),
        Wf1[:D], Wf1[D:], bf1.reshape(1, -1), Wf2, bf2.reshape(1, -1),
        gamma.reshape(1, -1), beta.reshape(1, -1), B, N, S)
    return out

# --- scband reference (transcript-rebuilt; emitter-appended) ---
"""Pipeline reference for scband-point-encoder-80556406603869 (READ-ONLY COPY).

The authoritative reference and input builder live on the scoring server;
editing this copy changes nothing except your own understanding.
"""

import jax, jax.numpy as jnp
import numpy as np

B, N, D_SCENE, OUT_TOKENS = 16, 16384, 128, 256

def _linear_params(k, fan_in, fan_out):
    bound = 1.0 / np.sqrt(fan_in)
    kw, kb = jax.random.split(k)
    W = jax.random.uniform(kw, (fan_in, fan_out), minval=-bound, maxval=bound, dtype=jnp.float32)
    b = jax.random.uniform(kb, (fan_out,), minval=-bound, maxval=bound, dtype=jnp.float32)
    return W, b

def setup_inputs(seed: int = 0) -> dict:
    key = jax.random.key(seed)
    ks = jax.random.split(key, 6)
    points = jax.random.normal(ks[0], (B, N, 3), dtype=jnp.float32)
    W1, b1 = _linear_params(ks[1], 3, 64)
    W2, b2 = _linear_params(ks[2], 64, D_SCENE)
    Wf1, bf1 = _linear_params(ks[3], 2 * D_SCENE, D_SCENE)
    Wf2, bf2 = _linear_params(ks[4], D_SCENE, D_SCENE)
    gamma = jnp.ones((D_SCENE,), dtype=jnp.float32)
    beta = jnp.zeros((D_SCENE,), dtype=jnp.float32)
    return {"points": points, "W1": W1, "b1": b1, "W2": W2, "b2": b2,
            "Wf1": Wf1, "bf1": bf1, "Wf2": Wf2, "bf2": bf2,
            "gamma": gamma, "beta": beta}

def _fps(points, num_samples):
    b, n, _ = points.shape
    batch_ar = jnp.arange(b)
    def step(carry, _):
        min_d, far = carry
        sel = points[batch_ar, far]                       # [B, 3] gather
        d = jnp.sum((points - sel[:, None, :]) ** 2, axis=-1)  # [B, N]
        min_d = jnp.minimum(min_d, d)
        new_far = jnp.argmax(min_d, axis=-1).astype(jnp.int32)
        return (min_d, new_far), far
    init = (jnp.full((b, n), jnp.inf, dtype=points.dtype), jnp.zeros((b,), dtype=jnp.int32))
    _, idxs = jax.lax.scan(step, init, None, length=num_samples)
    return jnp.transpose(idxs)  # [B, num_samples]

def reference(points, W1, b1, W2, b2, Wf1, bf1, Wf2, bf2, gamma, beta):
    gelu = lambda x: jax.nn.gelu(x, approximate=False)  # torch nn.GELU default (exact erf)
    feats = gelu(gelu(points @ W1 + b1) @ W2 + b2)                       # [B, N, D]
    gctx = jnp.broadcast_to(jnp.mean(feats, axis=1, keepdims=True), feats.shape)
    fused = gelu(jnp.concatenate([feats, gctx], axis=-1) @ Wf1 + bf1) @ Wf2 + bf2
    fps_idx = _fps(points, OUT_TOKENS)                                   # [B, 256]
    tokens = jnp.take_along_axis(fused, fps_idx[:, :, None], axis=1)     # [B, 256, D]
    mu = jnp.mean(tokens, axis=-1, keepdims=True)
    var = jnp.var(tokens, axis=-1, keepdims=True)
    return (tokens - mu) / jnp.sqrt(var + 1e-5) * gamma + beta

if __name__ == "__main__":
    import jax
    _d = setup_inputs()
    print(jax.jit(kernel)(*tuple(_d.values())))

</pallas_src>

<mosaic_0001>
#map = affine_map<(d0, d1) -> (0)>
module attributes {stable_mosaic.version = 14 : i64} {
  func.func @fps_kernel(%arg0: i32, %arg1: i32, %arg2: memref<786432xf32, #tpu.memory_space<hbm>>, %arg3: memref<65536xf32, #tpu.memory_space<hbm>>, %arg4: memref<8192xf32, #tpu.memory_space<vmem>>, %arg5: memref<8192xf32, #tpu.memory_space<vmem>>, %arg6: memref<8192xf32, #tpu.memory_space<vmem>>, %arg7: memref<8192xf32, #tpu.memory_space<vmem>>, %arg8: memref<4096xf32, #tpu.memory_space<vmem>>, %arg9: memref<16xf32, #tpu.memory_space<vmem>>, %arg10: memref<16xf32, #tpu.memory_space<vmem>>, %arg11: memref<512xf32, #tpu.memory_space<vmem_shared>>) attributes {dimension_semantics = [#tpu.dimension_semantics<core_parallel>, #tpu.dimension_semantics<subcore_parallel>], iteration_bounds = array<i64: 2, 16>, scalar_prefetch = 0 : i64, scratch_operands = 8 : i64, tpu.core_type = #tpu.core_type<sc_vector_subcore>, window_params = [{transform_indices = #map}, {transform_indices = #map}]} {
    %mul3A = arith.constant 8 : i32
    %mul3A_0 = arith.muli %arg0, %mul3A : i32
    %jit3A = arith.constant 2 : i32
    %div3A = arith.divsi %arg1, %jit3A : i32
    %sign3A = arith.constant 0 : i32
    %sign3A_1 = arith.cmpi sgt, %arg1, %sign3A : i32
    %sign3A_2 = arith.extui %sign3A_1 : i1 to i32
    %sign3A_3 = arith.constant 0 : i32
    %sign3A_4 = arith.cmpi slt, %arg1, %sign3A_3 : i32
    %sign3A_5 = arith.extui %sign3A_4 : i1 to i32
    %sign3A_6 = arith.subi %sign3A_2, %sign3A_5 : i32
    %sign3A_7 = arith.constant 0 : i32
    %sign3A_8 = arith.cmpi sgt, %jit3A, %sign3A_7 : i32
    %sign3A_9 = arith.extui %sign3A_8 : i1 to i32
    %sign3A_10 = arith.constant 0 : i32
    %sign3A_11 = arith.cmpi slt, %jit3A, %sign3A_10 : i32
    %sign3A_12 = arith.extui %sign3A_11 : i1 to i32
    %sign3A_13 = arith.subi %sign3A_9, %sign3A_12 : i32
    %ne3A = arith.cmpi ne, %sign3A_6, %sign3A_13 : i32
    %rem3A = arith.remsi %arg1, %jit3A : i32
    %ne3A_14 = arith.constant 0 : i32
    %ne3A_15 = arith.cmpi ne, %rem3A, %ne3A_14 : i32
    %and3A = arith.andi %ne3A, %ne3A_15 : i1
    %sub3A = arith.constant 1 : i32
    %sub3A_16 = arith.subi %div3A, %sub3A : i32
    %select_n3A = arith.select %and3A, %sub3A_16, %div3A : i32
    %add3A = arith.addi %mul3A_0, %select_n3A : i32
    %jit3A_17 = arith.constant 2 : i32
    %eq3A = arith.constant 0 : i32
    %eq3A_18 = arith.cmpi eq, %jit3A_17, %eq3A : i32
    %jit3A_19 = arith.constant 1 : i32
    %select_n3A_20 = arith.select %eq3A_18, %jit3A_19, %jit3A_17 : i32
    %rem3A_21 = arith.remsi %arg1, %select_n3A_20 : i32
    %ne3A_22 = arith.constant 0 : i32
    %ne3A_23 = arith.cmpi ne, %rem3A_21, %ne3A_22 : i32
    %lt3A = arith.constant 0 : i32
    %lt3A_24 = arith.cmpi slt, %rem3A_21, %lt3A : i32
    %lt3A_25 = arith.constant 0 : i32
    %lt3A_26 = arith.cmpi slt, %select_n3A_20, %lt3A_25 : i32
    %ne3A_27 = arith.xori %lt3A_24, %lt3A_26 : i1
    %and3A_28 = arith.andi %ne3A_27, %ne3A_23 : i1
    %add3A_29 = arith.addi %rem3A_21, %select_n3A_20 : i32
    %select_n3A_30 = arith.select %and3A_28, %add3A_29, %rem3A_21 : i32
    %mul3A_31 = arith.constant 8192 : i32
    %mul3A_32 = arith.muli %select_n3A_30, %mul3A_31 : i32
    %mul3A_33 = arith.constant 3 : i32
    %mul3A_34 = arith.muli %mul3A_33, %add3A : i32
    %add3A_35 = arith.constant 0 : i32
    %add3A_36 = arith.addi %mul3A_34, %add3A_35 : i32
    %mul3A_37 = arith.constant 16384 : i32
    %mul3A_38 = arith.muli %add3A_36, %mul3A_37 : i32
    %add3A_39 = arith.addi %mul3A_38, %mul3A_32 : i32
    "tpu.region"() ({
      %run_scoped3A = tpu.sem_alloc : memref<!tpu.dma_semaphore, #tpu.memory_space<semaphore_mem>>
      %dma_start3A = tpu.memref_slice %arg2[%add3A_39] : memref<786432xf32, #tpu.memory_space<hbm>> -> memref<8192xf32, #tpu.memory_space<hbm>>
      %dma_start3A_341 = tpu.memref_slice %arg2[%add3A_39] : memref<786432xf32, #tpu.memory_space<hbm>> -> memref<8192xf32, #tpu.memory_space<hbm>>
      tpu.enqueue_dma source(%dma_start3A_341 : memref<8192xf32, #tpu.memory_space<hbm>>) target(%arg4 : memref<8192xf32, #tpu.memory_space<vmem>>) target_semaphore(%run_scoped3A : memref<!tpu.dma_semaphore, #tpu.memory_space<semaphore_mem>>)
      %dma_wait3A = tpu.memref_slice %arg2[%add3A_39] : memref<786432xf32, #tpu.memory_space<hbm>> -> memref<8192xf32, #tpu.memory_space<hbm>>
      %dma_wait3A_342 = tpu.memref_slice %arg2[%add3A_39] : memref<786432xf32, #tpu.memory_space<hbm>> -> memref<8192xf32, #tpu.memory_space<hbm>>
      tpu.wait_dma2 semaphore(%run_scoped3A : memref<!tpu.dma_semaphore, #tpu.memory_space<semaphore_mem>>) src(%dma_wait3A_342 : memref<8192xf32, #tpu.memory_space<hbm>>) dst(%arg4 : memref<8192xf32, #tpu.memory_space<vmem>>)
      tpu.yield
    }) : () -> ()
    %mul3A_40 = arith.constant 3 : i32
    %mul3A_41 = arith.muli %mul3A_40, %add3A : i32
    %add3A_42 = arith.constant 1 : i32
    %add3A_43 = arith.addi %mul3A_41, %add3A_42 : i32
    %mul3A_44 = arith.constant 16384 : i32
    %mul3A_45 = arith.muli %add3A_43, %mul3A_44 : i32
    %add3A_46 = arith.addi %mul3A_45, %mul3A_32 : i32
    "tpu.region"() ({
      %run_scoped3A = tpu.sem_alloc : memref<!tpu.dma_semaphore, #tpu.memory_space<semaphore_mem>>
      %dma_start3A = tpu.memref_slice %arg2[%add3A_46] : memref<786432xf32, #tpu.memory_space<hbm>> -> memref<8192xf32, #tpu.memory_space<hbm>>
      %dma_start3A_341 = tpu.memref_slice %arg2[%add3A_46] : memref<786432xf32, #tpu.memory_space<hbm>> -> memref<8192xf32, #tpu.memory_space<hbm>>
      tpu.enqueue_dma source(%dma_start3A_341 : memref<8192xf32, #tpu.memory_space<hbm>>) target(%arg5 : memref<8192xf32, #tpu.memory_space<vmem>>) target_semaphore(%run_scoped3A : memref<!tpu.dma_semaphore, #tpu.memory_space<semaphore_mem>>)
      %dma_wait3A = tpu.memref_slice %arg2[%add3A_46] : memref<786432xf32, #tpu.memory_space<hbm>> -> memref<8192xf32, #tpu.memory_space<hbm>>
      %dma_wait3A_342 = tpu.memref_slice %arg2[%add3A_46] : memref<786432xf32, #tpu.memory_space<hbm>> -> memref<8192xf32, #tpu.memory_space<hbm>>
      tpu.wait_dma2 semaphore(%run_scoped3A : memref<!tpu.dma_semaphore, #tpu.memory_space<semaphore_mem>>) src(%dma_wait3A_342 : memref<8192xf32, #tpu.memory_space<hbm>>) dst(%arg5 : memref<8192xf32, #tpu.memory_space<vmem>>)
      tpu.yield
    }) : () -> ()
    %mul3A_47 = arith.constant 3 : i32
    %mul3A_48 = arith.muli %mul3A_47, %add3A : i32
    %add3A_49 = arith.constant 2 : i32
    %add3A_50 = arith.addi %mul3A_48, %add3A_49 : i32
    %mul3A_51 = arith.constant 16384 : i32
    %mul3A_52 = arith.muli %add3A_50, %mul3A_51 : i32
    %add3A_53 = arith.addi %mul3A_52, %mul3A_32 : i32
    "tpu.region"() ({
      %run_scoped3A = tpu.sem_alloc : memref<!tpu.dma_semaphore, #tpu.memory_space<semaphore_mem>>
      %dma_start3A = tpu.memref_slice %arg2[%add3A_53] : memref<786432xf32, #tpu.memory_space<hbm>> -> memref<8192xf32, #tpu.memory_space<hbm>>
      %dma_start3A_341 = tpu.memref_slice %arg2[%add3A_53] : memref<786432xf32, #tpu.memory_space<hbm>> -> memref<8192xf32, #tpu.memory_space<hbm>>
      tpu.enqueue_dma source(%dma_start3A_341 : memref<8192xf32, #tpu.memory_space<hbm>>) target(%arg6 : memref<8192xf32, #tpu.memory_space<vmem>>) target_semaphore(%run_scoped3A : memref<!tpu.dma_semaphore, #tpu.memory_space<semaphore_mem>>)
      %dma_wait3A = tpu.memref_slice %arg2[%add3A_53] : memref<786432xf32, #tpu.memory_space<hbm>> -> memref<8192xf32, #tpu.memory_space<hbm>>
      %dma_wait3A_342 = tpu.memref_slice %arg2[%add3A_53] : memref<786432xf32, #tpu.memory_space<hbm>> -> memref<8192xf32, #tpu.memory_space<hbm>>
      tpu.wait_dma2 semaphore(%run_scoped3A : memref<!tpu.dma_semaphore, #tpu.memory_space<semaphore_mem>>) src(%dma_wait3A_342 : memref<8192xf32, #tpu.memory_space<hbm>>) dst(%arg6 : memref<8192xf32, #tpu.memory_space<vmem>>)
      tpu.yield
    }) : () -> ()
    %broadcast_in_dim3A = arith.constant 0x7F800000 : f32
    %broadcast_in_dim3A_54 = vector.broadcast %broadcast_in_dim3A : f32 to vector<16xf32>
    %scan3A = arith.constant 0 : i32
    %scan3A_55 = arith.constant 0 : i32
    %scan3A_56 = arith.constant 512 : i32
    %scan3A_57 = arith.addi %scan3A_55, %scan3A_56 : i32
    %scan3A_58 = arith.constant 1 : i32
    scf.for %scan3A_341 = %scan3A_55 to %scan3A_57 step %scan3A_58  : i32 {
      %mul3A_342 = arith.constant 16 : i32
      %mul3A_343 = arith.muli %scan3A_341, %mul3A_342 : i32
      %swap3A_344 = arith.index_cast %mul3A_343 : i32 to index
      %swap3A_345 = tpu.vector_load %arg7[%swap3A_344] {strides = array<i32>} : memref<8192xf32, #tpu.memory_space<vmem>>, vector<16xf32>,
      tpu.vector_store %arg7[%swap3A_344], %broadcast_in_dim3A_54 {strides = array<i32>} : memref<8192xf32, #tpu.memory_space<vmem>>, vector<16xf32>,
    }
    %scan3A_59 = arith.constant 512 : i32
    %iota3A = tpu.iota {dimensions = array<i32: 0>} : vector<16xi32>
    %broadcast_in_dim3A_60 = arith.constant 0 : i32
    %broadcast_in_dim3A_61 = vector.broadcast %broadcast_in_dim3A_60 : i32 to vector<16xi32>
    %eq3A_62 = arith.constant 0 : i32
    %eq3A_63 = arith.cmpi eq, %select_n3A_30, %eq3A_62 : i32
    %jit3A_64 = arith.constant 0x7F800000 : f32
    %jit3A_65 = arith.constant 0xFF800000 : f32
    %select_n3A_66 = arith.select %eq3A_63, %jit3A_64, %jit3A_65 : f32
    %broadcast_in_dim3A_67 = vector.broadcast %select_n3A_66 : f32 to vector<16xf32>
    %broadcast_in_dim3A_68 = vector.broadcast %mul3A_32 : i32 to vector<16xi32>
    %jit3A_69 = arith.constant 0 : i32
    %jit3A_70 = arith.constant 16 : i32
    %div3A_71 = arith.divsi %jit3A_69, %jit3A_70 : i32
    %sign3A_72 = arith.constant 0 : i32
    %sign3A_73 = arith.cmpi sgt, %jit3A_69, %sign3A_72 : i32
    %sign3A_74 = arith.extui %sign3A_73 : i1 to i32
    %sign3A_75 = arith.constant 0 : i32
    %sign3A_76 = arith.cmpi slt, %jit3A_69, %sign3A_75 : i32
    %sign3A_77 = arith.extui %sign3A_76 : i1 to i32
    %sign3A_78 = arith.subi %sign3A_74, %sign3A_77 : i32
    %sign3A_79 = arith.constant 0 : i32
    %sign3A_80 = arith.cmpi sgt, %jit3A_70, %sign3A_79 : i32
    %sign3A_81 = arith.extui %sign3A_80 : i1 to i32
    %sign3A_82 = arith.constant 0 : i32
    %sign3A_83 = arith.cmpi slt, %jit3A_70, %sign3A_82 : i32
    %sign3A_84 = arith.extui %sign3A_83 : i1 to i32
    %sign3A_85 = arith.subi %sign3A_81, %sign3A_84 : i32
    %ne3A_86 = arith.cmpi ne, %sign3A_78, %sign3A_85 : i32
    %rem3A_87 = arith.remsi %jit3A_69, %jit3A_70 : i32
    %ne3A_88 = arith.constant 0 : i32
    %ne3A_89 = arith.cmpi ne, %rem3A_87, %ne3A_88 : i32
    %and3A_90 = arith.andi %ne3A_86, %ne3A_89 : i1
    %sub3A_91 = arith.constant 1 : i32
    %sub3A_92 = arith.subi %div3A_71, %sub3A_91 : i32
    %select_n3A_93 = arith.select %and3A_90, %sub3A_92, %div3A_71 : i32
    %mul3A_94 = arith.constant 16 : i32
    %mul3A_95 = arith.muli %select_n3A_93, %mul3A_94 : i32
    %get3A = arith.index_cast %mul3A_95 : i32 to index
    %get3A_96 = tpu.vector_load %arg4[%get3A] {strides = array<i32>} : memref<8192xf32, #tpu.memory_space<vmem>>, vector<16xf32>,
    %jit3A_97 = arith.constant 0 : i32
    %jit3A_98 = arith.constant 16 : i32
    %eq3A_99 = arith.constant 0 : i32
    %eq3A_100 = arith.cmpi eq, %jit3A_98, %eq3A_99 : i32
    %jit3A_101 = arith.constant 1 : i32
    %select_n3A_102 = arith.select %eq3A_100, %jit3A_101, %jit3A_98 : i32
    %rem3A_103 = arith.remsi %jit3A_97, %select_n3A_102 : i32
    %ne3A_104 = arith.constant 0 : i32
    %ne3A_105 = arith.cmpi ne, %rem3A_103, %ne3A_104 : i32
    %lt3A_106 = arith.constant 0 : i32
    %lt3A_107 = arith.cmpi slt, %rem3A_103, %lt3A_106 : i32
    %lt3A_108 = arith.constant 0 : i32
    %lt3A_109 = arith.cmpi slt, %select_n3A_102, %lt3A_108 : i32
    %ne3A_110 = arith.xori %lt3A_107, %lt3A_109 : i1
    %and3A_111 = arith.andi %ne3A_110, %ne3A_105 : i1
    %add3A_112 = arith.addi %rem3A_103, %select_n3A_102 : i32
    %select_n3A_113 = arith.select %and3A_111, %add3A_112, %rem3A_103 : i32
    %broadcast_in_dim3A_114 = vector.broadcast %select_n3A_113 : i32 to vector<16xi32>
    %lt3A_115 = arith.constant 0 : i32
    %lt3A_116 = vector.broadcast %lt3A_115 : i32 to vector<16xi32>
    %lt3A_117 = arith.cmpi slt, %broadcast_in_dim3A_114, %lt3A_116 : vector<16xi32>
    %add3A_118 = arith.constant 16 : i32
    %add3A_119 = vector.broadcast %add3A_118 : i32 to vector<16xi32>
    %add3A_120 = arith.addi %broadcast_in_dim3A_114, %add3A_119 : vector<16xi32>
    %select_n3A_121 = arith.select %lt3A_117, %add3A_120, %broadcast_in_dim3A_114 : vector<16xi1>, vector<16xi32>
    %reshape3A = vector.shape_cast %select_n3A_121 : vector<16xi32> to vector<16x1xi32>
    %gather3A = vector.shape_cast %reshape3A : vector<16x1xi32> to vector<16xi32>
    %gather3A_122 = tpu.dynamic_gather %get3A_96[%gather3A] in [0] : vector<16xf32>, vector<16xi32> -> vector<16xf32>
    %jit3A_123 = arith.constant 0 : i32
    %jit3A_124 = arith.constant 16 : i32
    %div3A_125 = arith.divsi %jit3A_123, %jit3A_124 : i32
    %sign3A_126 = arith.constant 0 : i32
    %sign3A_127 = arith.cmpi sgt, %jit3A_123, %sign3A_126 : i32
    %sign3A_128 = arith.extui %sign3A_127 : i1 to i32
    %sign3A_129 = arith.constant 0 : i32
    %sign3A_130 = arith.cmpi slt, %jit3A_123, %sign3A_129 : i32
    %sign3A_131 = arith.extui %sign3A_130 : i1 to i32
    %sign3A_132 = arith.subi %sign3A_128, %sign3A_131 : i32
    %sign3A_133 = arith.constant 0 : i32
    %sign3A_134 = arith.cmpi sgt, %jit3A_124, %sign3A_133 : i32
    %sign3A_135 = arith.extui %sign3A_134 : i1 to i32
    %sign3A_136 = arith.constant 0 : i32
    %sign3A_137 = arith.cmpi slt, %jit3A_124, %sign3A_136 : i32
    %sign3A_138 = arith.extui %sign3A_137 : i1 to i32
    %sign3A_139 = arith.subi %sign3A_135, %sign3A_138 : i32
    %ne3A_140 = arith.cmpi ne, %sign3A_132, %sign3A_139 : i32
    %rem3A_141 = arith.remsi %jit3A_123, %jit3A_124 : i32
    %ne3A_142 = arith.constant 0 : i32
    %ne3A_143 = arith.cmpi ne, %rem3A_141, %ne3A_142 : i32
    %and3A_144 = arith.andi %ne3A_140, %ne3A_143 : i1
    %sub3A_145 = arith.constant 1 : i32
    %sub3A_146 = arith.subi %div3A_125, %sub3A_145 : i32
    %select_n3A_147 = arith.select %and3A_144, %sub3A_146, %div3A_125 : i32
    %mul3A_148 = arith.constant 16 : i32
    %mul3A_149 = arith.muli %select_n3A_147, %mul3A_148 : i32
    %get3A_150 = arith.index_cast %mul3A_149 : i32 to index
    %get3A_151 = tpu.vector_load %arg5[%get3A_150] {strides = array<i32>} : memref<8192xf32, #tpu.memory_space<vmem>>, vector<16xf32>,
    %jit3A_152 = arith.constant 0 : i32
    %jit3A_153 = arith.constant 16 : i32
    %eq3A_154 = arith.constant 0 : i32
    %eq3A_155 = arith.cmpi eq, %jit3A_153, %eq3A_154 : i32
    %jit3A_156 = arith.constant 1 : i32
    %select_n3A_157 = arith.select %eq3A_155, %jit3A_156, %jit3A_153 : i32
    %rem3A_158 = arith.remsi %jit3A_152, %select_n3A_157 : i32
    %ne3A_159 = arith.constant 0 : i32
    %ne3A_160 = arith.cmpi ne, %rem3A_158, %ne3A_159 : i32
    %lt3A_161 = arith.constant 0 : i32
    %lt3A_162 = arith.cmpi slt, %rem3A_158, %lt3A_161 : i32
    %lt3A_163 = arith.constant 0 : i32
    %lt3A_164 = arith.cmpi slt, %select_n3A_157, %lt3A_163 : i32
    %ne3A_165 = arith.xori %lt3A_162, %lt3A_164 : i1
    %and3A_166 = arith.andi %ne3A_165, %ne3A_160 : i1
    %add3A_167 = arith.addi %rem3A_158, %select_n3A_157 : i32
    %select_n3A_168 = arith.select %and3A_166, %add3A_167, %rem3A_158 : i32
    %broadcast_in_dim3A_169 = vector.broadcast %select_n3A_168 : i32 to vector<16xi32>
    %lt3A_170 = arith.constant 0 : i32
    %lt3A_171 = vector.broadcast %lt3A_170 : i32 to vector<16xi32>
    %lt3A_172 = arith.cmpi slt, %broadcast_in_dim3A_169, %lt3A_171 : vector<16xi32>
    %add3A_173 = arith.constant 16 : i32
    %add3A_174 = vector.broadcast %add3A_173 : i32 to vector<16xi32>
    %add3A_175 = arith.addi %broadcast_in_dim3A_169, %add3A_174 : vector<16xi32>
    %select_n3A_176 = arith.select %lt3A_172, %add3A_175, %broadcast_in_dim3A_169 : vector<16xi1>, vector<16xi32>
    %reshape3A_177 = vector.shape_cast %select_n3A_176 : vector<16xi32> to vector<16x1xi32>
    %gather3A_178 = vector.shape_cast %reshape3A_177 : vector<16x1xi32> to vector<16xi32>
    %gather3A_179 = tpu.dynamic_gather %get3A_151[%gather3A_178] in [0] : vector<16xf32>, vector<16xi32> -> vector<16xf32>
    %jit3A_180 = arith.constant 0 : i32
    %jit3A_181 = arith.constant 16 : i32
    %div3A_182 = arith.divsi %jit3A_180, %jit3A_181 : i32
    %sign3A_183 = arith.constant 0 : i32
    %sign3A_184 = arith.cmpi sgt, %jit3A_180, %sign3A_183 : i32
    %sign3A_185 = arith.extui %sign3A_184 : i1 to i32
    %sign3A_186 = arith.constant 0 : i32
    %sign3A_187 = arith.cmpi slt, %jit3A_180, %sign3A_186 : i32
    %sign3A_188 = arith.extui %sign3A_187 : i1 to i32
    %sign3A_189 = arith.subi %sign3A_185, %sign3A_188 : i32
    %sign3A_190 = arith.constant 0 : i32
    %sign3A_191 = arith.cmpi sgt, %jit3A_181, %sign3A_190 : i32
    %sign3A_192 = arith.extui %sign3A_191 : i1 to i32
    %sign3A_193 = arith.constant 0 : i32
    %sign3A_194 = arith.cmpi slt, %jit3A_181, %sign3A_193 : i32
    %sign3A_195 = arith.extui %sign3A_194 : i1 to i32
    %sign3A_196 = arith.subi %sign3A_192, %sign3A_195 : i32
    %ne3A_197 = arith.cmpi ne, %sign3A_189, %sign3A_196 : i32
    %rem3A_198 = arith.remsi %jit3A_180, %jit3A_181 : i32
    %ne3A_199 = arith.constant 0 : i32
    %ne3A_200 = arith.cmpi ne, %rem3A_198, %ne3A_199 : i32
    %and3A_201 = arith.andi %ne3A_197, %ne3A_200 : i1
    %sub3A_202 = arith.constant 1 : i32
    %sub3A_203 = arith.subi %div3A_182, %sub3A_202 : i32
    %select_n3A_204 = arith.select %and3A_201, %sub3A_203, %div3A_182 : i32
    %mul3A_205 = arith.constant 16 : i32
    %mul3A_206 = arith.muli %select_n3A_204, %mul3A_205 : i32
    %get3A_207 = arith.index_cast %mul3A_206 : i32 to index
    %get3A_208 = tpu.vector_load %arg6[%get3A_207] {strides = array<i32>} : memref<8192xf32, #tpu.memory_space<vmem>>, vector<16xf32>,
    %jit3A_209 = arith.constant 0 : i32
    %jit3A_210 = arith.constant 16 : i32
    %eq3A_211 = arith.constant 0 : i32
    %eq3A_212 = arith.cmpi eq, %jit3A_210, %eq3A_211 : i32
    %jit3A_213 = arith.constant 1 : i32
    %select_n3A_214 = arith.select %eq3A_212, %jit3A_213, %jit3A_210 : i32
    %rem3A_215 = arith.remsi %jit3A_209, %select_n3A_214 : i32
    %ne3A_216 = arith.constant 0 : i32
    %ne3A_217 = arith.cmpi ne, %rem3A_215, %ne3A_216 : i32
    %lt3A_218 = arith.constant 0 : i32
    %lt3A_219 = arith.cmpi slt, %rem3A_215, %lt3A_218 : i32
    %lt3A_220 = arith.constant 0 : i32
    %lt3A_221 = arith.cmpi slt, %select_n3A_214, %lt3A_220 : i32
    %ne3A_222 = arith.xori %lt3A_219, %lt3A_221 : i1
    %and3A_223 = arith.andi %ne3A_222, %ne3A_217 : i1
    %add3A_224 = arith.addi %rem3A_215, %select_n3A_214 : i32
    %select_n3A_225 = arith.select %and3A_223, %add3A_224, %rem3A_215 : i32
    %broadcast_in_dim3A_226 = vector.broadcast %select_n3A_225 : i32 to vector<16xi32>
    %lt3A_227 = arith.constant 0 : i32
    %lt3A_228 = vector.broadcast %lt3A_227 : i32 to vector<16xi32>
    %lt3A_229 = arith.cmpi slt, %broadcast_in_dim3A_226, %lt3A_228 : vector<16xi32>
    %add3A_230 = arith.constant 16 : i32
    %add3A_231 = vector.broadcast %add3A_230 : i32 to vector<16xi32>
    %add3A_232 = arith.addi %broadcast_in_dim3A_226, %add3A_231 : vector<16xi32>
    %select_n3A_233 = arith.select %lt3A_229, %add3A_232, %broadcast_in_dim3A_226 : vector<16xi1>, vector<16xi32>
    %reshape3A_234 = vector.shape_cast %select_n3A_233 : vector<16xi32> to vector<16x1xi32>
    %gather3A_235 = vector.shape_cast %reshape3A_234 : vector<16x1xi32> to vector<16xi32>
    %gather3A_236 = tpu.dynamic_gather %get3A_208[%gather3A_235] in [0] : vector<16xf32>, vector<16xi32> -> vector<16xf32>
    %eq3A_237 = arith.constant 1 : i32
    %eq3A_238 = vector.broadcast %eq3A_237 : i32 to vector<16xi32>
    %eq3A_239 = arith.cmpi eq, %iota3A, %eq3A_238 : vector<16xi32>
    %select_n3A_240 = arith.select %eq3A_239, %gather3A_122, %broadcast_in_dim3A_67 : vector<16xi1>, vector<16xf32>
    %eq3A_241 = arith.constant 2 : i32
    %eq3A_242 = vector.broadcast %eq3A_241 : i32 to vector<16xi32>
    %eq3A_243 = arith.cmpi eq, %iota3A, %eq3A_242 : vector<16xi32>
    %select_n3A_244 = arith.select %eq3A_243, %gather3A_179, %select_n3A_240 : vector<16xi1>, vector<16xf32>
    %eq3A_245 = arith.constant 3 : i32
    %eq3A_246 = vector.broadcast %eq3A_245 : i32 to vector<16xi32>
    %eq3A_247 = arith.cmpi eq, %iota3A, %eq3A_246 : vector<16xi32>
    %select_n3A_248 = arith.select %eq3A_247, %gather3A_236, %select_n3A_244 : vector<16xi1>, vector<16xf32>
    %eq3A_249 = arith.constant 4 : i32
    %eq3A_250 = vector.broadcast %eq3A_249 : i32 to vector<16xi32>
    %eq3A_251 = arith.cmpi eq, %iota3A, %eq3A_250 : vector<16xi32>
    %bitcast3A = vector.bitcast %broadcast_in_dim3A_68 : vector<16xi32> to vector<16xf32>
    %select_n3A_252 = arith.select %eq3A_251, %bitcast3A, %select_n3A_248 : vector<16xi1>, vector<16xf32>
    %swap3A = arith.constant 0 : index
    %swap3A_253 = tpu.vector_load %arg9[%swap3A] {strides = array<i32>} : memref<16xf32, #tpu.memory_space<vmem>>, vector<16xf32>,
    tpu.vector_store %arg9[%swap3A], %select_n3A_252 {strides = array<i32>} : memref<16xf32, #tpu.memory_space<vmem>>, vector<16xf32>,
    %mul3A_254 = arith.constant 1 : i32
    %mul3A_255 = arith.constant 256 : i32
    %mul3A_256 = arith.muli %mul3A_254, %mul3A_255 : i32
    %mul3A_257 = arith.constant 16 : i32
    %mul3A_258 = arith.muli %arg1, %mul3A_257 : i32
    %add3A_259 = arith.addi %mul3A_256, %mul3A_258 : i32
    "tpu.region"() ({
      %run_scoped3A = tpu.sem_alloc : memref<!tpu.dma_semaphore, #tpu.memory_space<semaphore_mem>>
      %dma_start3A = tpu.memref_slice %arg11[%add3A_259] : memref<512xf32, #tpu.memory_space<vmem_shared>> -> memref<16xf32, #tpu.memory_space<vmem_shared>>
      %dma_start3A_341 = tpu.memref_slice %arg11[%add3A_259] : memref<512xf32, #tpu.memory_space<vmem_shared>> -> memref<16xf32, #tpu.memory_space<vmem_shared>>
      tpu.enqueue_dma source(%arg9 : memref<16xf32, #tpu.memory_space<vmem>>) target(%dma_start3A_341 : memref<16xf32, #tpu.memory_space<vmem_shared>>) target_semaphore(%run_scoped3A : memref<!tpu.dma_semaphore, #tpu.memory_space<semaphore_mem>>)
      %dma_wait3A = tpu.memref_slice %arg11[%add3A_259] : memref<512xf32, #tpu.memory_space<vmem_shared>> -> memref<16xf32, #tpu.memory_space<vmem_shared>>
      %dma_wait3A_342 = tpu.memref_slice %arg11[%add3A_259] : memref<512xf32, #tpu.memory_space<vmem_shared>> -> memref<16xf32, #tpu.memory_space<vmem_shared>>
      tpu.wait_dma2 semaphore(%run_scoped3A : memref<!tpu.dma_semaphore, #tpu.memory_space<semaphore_mem>>) src(%arg9 : memref<16xf32, #tpu.memory_space<vmem>>) dst(%dma_wait3A_342 : memref<16xf32, #tpu.memory_space<vmem_shared>>)
      tpu.yield
    }) : () -> ()
    %barrier3A = arith.constant 0 : index
    tpu.barrier barrier_id(%barrier3A)
    %xor3A = arith.constant 1 : i32
    %xor3A_260 = arith.xori %arg1, %xor3A : i32
    %mul3A_261 = arith.constant 16 : i32
    %mul3A_262 = arith.muli %xor3A_260, %mul3A_261 : i32
    %add3A_263 = arith.addi %mul3A_256, %mul3A_262 : i32
    "tpu.region"() ({
      %run_scoped3A = tpu.sem_alloc : memref<!tpu.dma_semaphore, #tpu.memory_space<semaphore_mem>>
      %dma_start3A = tpu.memref_slice %arg11[%add3A_263] : memref<512xf32, #tpu.memory_space<vmem_shared>> -> memref<16xf32, #tpu.memory_space<vmem_shared>>
      %dma_start3A_341 = tpu.memref_slice %arg11[%add3A_263] : memref<512xf32, #tpu.memory_space<vmem_shared>> -> memref<16xf32, #tpu.memory_space<vmem_shared>>
      tpu.enqueue_dma source(%dma_start3A_341 : memref<16xf32, #tpu.memory_space<vmem_shared>>) target(%arg10 : memref<16xf32, #tpu.memory_space<vmem>>) target_semaphore(%run_scoped3A : memref<!tpu.dma_semaphore, #tpu.memory_space<semaphore_mem>>)
      %dma_wait3A = tpu.memref_slice %arg11[%add3A_263] : memref<512xf32, #tpu.memory_space<vmem_shared>> -> memref<16xf32, #tpu.memory_space<vmem_shared>>
      %dma_wait3A_342 = tpu.memref_slice %arg11[%add3A_263] : memref<512xf32, #tpu.memory_space<vmem_shared>> -> memref<16xf32, #tpu.memory_space<vmem_shared>>
      tpu.wait_dma2 semaphore(%run_scoped3A : memref<!tpu.dma_semaphore, #tpu.memory_space<semaphore_mem>>) src(%dma_wait3A_342 : memref<16xf32, #tpu.memory_space<vmem_shared>>) dst(%arg10 : memref<16xf32, #tpu.memory_space<vmem>>)
      tpu.yield
    }) : () -> ()
    %get3A_264 = arith.constant 0 : index
    %get3A_265 = tpu.vector_load %arg10[%get3A_264] {strides = array<i32>} : memref<16xf32, #tpu.memory_space<vmem>>, vector<16xf32>,
    %broadcast_in_dim3A_266 = arith.constant 0 : i32
    %broadcast_in_dim3A_267 = vector.broadcast %broadcast_in_dim3A_266 : i32 to vector<16xi32>
    %lt3A_268 = arith.constant 0 : i32
    %lt3A_269 = vector.broadcast %lt3A_268 : i32 to vector<16xi32>
    %lt3A_270 = arith.cmpi slt, %broadcast_in_dim3A_267, %lt3A_269 : vector<16xi32>
    %add3A_271 = arith.constant 16 : i32
    %add3A_272 = vector.broadcast %add3A_271 : i32 to vector<16xi32>
    %add3A_273 = arith.addi %broadcast_in_dim3A_267, %add3A_272 : vector<16xi32>
    %select_n3A_274 = arith.select %lt3A_270, %add3A_273, %broadcast_in_dim3A_267 : vector<16xi1>, vector<16xi32>
    %reshape3A_275 = vector.shape_cast %select_n3A_274 : vector<16xi32> to vector<16x1xi32>
    %gather3A_276 = vector.shape_cast %reshape3A_275 : vector<16x1xi32> to vector<16xi32>
    %gather3A_277 = tpu.dynamic_gather %get3A_265[%gather3A_276] in [0] : vector<16xf32>, vector<16xi32> -> vector<16xf32>
    %broadcast_in_dim3A_278 = arith.constant 4 : i32
    %broadcast_in_dim3A_279 = vector.broadcast %broadcast_in_dim3A_278 : i32 to vector<16xi32>
    %lt3A_280 = arith.constant 0 : i32
    %lt3A_281 = vector.broadcast %lt3A_280 : i32 to vector<16xi32>
    %lt3A_282 = arith.cmpi slt, %broadcast_in_dim3A_279, %lt3A_281 : vector<16xi32>
    %add3A_283 = arith.constant 16 : i32
    %add3A_284 = vector.broadcast %add3A_283 : i32 to vector<16xi32>
    %add3A_285 = arith.addi %broadcast_in_dim3A_279, %add3A_284 : vector<16xi32>
    %select_n3A_286 = arith.select %lt3A_282, %add3A_285, %broadcast_in_dim3A_279 : vector<16xi1>, vector<16xi32>
    %reshape3A_287 = vector.shape_cast %select_n3A_286 : vector<16xi32> to vector<16x1xi32>
    %gather3A_288 = vector.shape_cast %reshape3A_287 : vector<16x1xi32> to vector<16xi32>
    %gather3A_289 = tpu.dynamic_gather %get3A_265[%gather3A_288] in [0] : vector<16xf32>, vector<16xi32> -> vector<16xf32>
    %bitcast3A_290 = vector.bitcast %gather3A_289 : vector<16xf32> to vector<16xi32>
    %gt3A = arith.cmpf ogt, %gather3A_277, %broadcast_in_dim3A_67 : vector<16xf32>
    %eq3A_291 = arith.cmpf oeq, %gather3A_277, %broadcast_in_dim3A_67 : vector<16xf32>
    %lt3A_292 = arith.cmpi slt, %bitcast3A_290, %broadcast_in_dim3A_68 : vector<16xi32>
    %and3A_293 = arith.andi %eq3A_291, %lt3A_292 : vector<16xi1>
    %or3A = arith.ori %gt3A, %and3A_293 : vector<16xi1>
    %select_n3A_294 = arith.select %or3A, %get3A_265, %select_n3A_252 : vector<16xi1>, vector<16xf32>
    %broadcast_in_dim3A_295 = arith.constant 1 : i32
    %broadcast_in_dim3A_296 = vector.broadcast %broadcast_in_dim3A_295 : i32 to vector<16xi32>
    %lt3A_297 = arith.constant 0 : i32
    %lt3A_298 = vector.broadcast %lt3A_297 : i32 to vector<16xi32>
    %lt3A_299 = arith.cmpi slt, %broadcast_in_dim3A_296, %lt3A_298 : vector<16xi32>
    %add3A_300 = arith.constant 16 : i32
    %add3A_301 = vector.broadcast %add3A_300 : i32 to vector<16xi32>
    %add3A_302 = arith.addi %broadcast_in_dim3A_296, %add3A_301 : vector<16xi32>
    %select_n3A_303 = arith.select %lt3A_299, %add3A_302, %broadcast_in_dim3A_296 : vector<16xi1>, vector<16xi32>
    %reshape3A_304 = vector.shape_cast %select_n3A_303 : vector<16xi32> to vector<16x1xi32>
    %gather3A_305 = vector.shape_cast %reshape3A_304 : vector<16x1xi32> to vector<16xi32>
    %gather3A_306 = tpu.dynamic_gather %select_n3A_294[%gather3A_305] in [0] : vector<16xf32>, vector<16xi32> -> vector<16xf32>
    %broadcast_in_dim3A_307 = arith.constant 2 : i32
    %broadcast_in_dim3A_308 = vector.broadcast %broadcast_in_dim3A_307 : i32 to vector<16xi32>
    %lt3A_309 = arith.constant 0 : i32
    %lt3A_310 = vector.broadcast %lt3A_309 : i32 to vector<16xi32>
    %lt3A_311 = arith.cmpi slt, %broadcast_in_dim3A_308, %lt3A_310 : vector<16xi32>
    %add3A_312 = arith.constant 16 : i32
    %add3A_313 = vector.broadcast %add3A_312 : i32 to vector<16xi32>
    %add3A_314 = arith.addi %broadcast_in_dim3A_308, %add3A_313 : vector<16xi32>
    %select_n3A_315 = arith.select %lt3A_311, %add3A_314, %broadcast_in_dim3A_308 : vector<16xi1>, vector<16xi32>
    %reshape3A_316 = vector.shape_cast %select_n3A_315 : vector<16xi32> to vector<16x1xi32>
    %gather3A_317 = vector.shape_cast %reshape3A_316 : vector<16x1xi32> to vector<16xi32>
    %gather3A_318 = tpu.dynamic_gather %select_n3A_294[%gather3A_317] in [0] : vector<16xf32>, vector<16xi32> -> vector<16xf32>
    %broadcast_in_dim3A_319 = arith.constant 3 : i32
    %broadcast_in_dim3A_320 = vector.broadcast %broadcast_in_dim3A_319 : i32 to vector<16xi32>
    %lt3A_321 = arith.constant 0 : i32
    %lt3A_322 = vector.broadcast %lt3A_321 : i32 to vector<16xi32>
    %lt3A_323 = arith.cmpi slt, %broadcast_in_dim3A_320, %lt3A_322 : vector<16xi32>
    %add3A_324 = arith.constant 16 : i32
    %add3A_325 = vector.broadcast %add3A_324 : i32 to vector<16xi32>
    %add3A_326 = arith.addi %broadcast_in_dim3A_320, %add3A_325 : vector<16xi32>
    %select_n3A_327 = arith.select %lt3A_323, %add3A_326, %broadcast_in_dim3A_320 : vector<16xi1>, vector<16xi32>
    %reshape3A_328 = vector.shape_cast %select_n3A_327 : vector<16xi32> to vector<16x1xi32>
    %gather3A_329 = vector.shape_cast %reshape3A_328 : vector<16x1xi32> to vector<16xi32>
    %gather3A_330 = tpu.dynamic_gather %select_n3A_294[%gather3A_329] in [0] : vector<16xf32>, vector<16xi32> -> vector<16xf32>
    %scan3A_331 = arith.constant 0xFF800000 : f32
    %scan3A_332 = arith.constant 0 : i32
    %scan3A_333 = arith.constant 256 : i32
    %scan3A_334 = arith.addi %scan3A_332, %scan3A_333 : i32
    %scan3A_335 = arith.constant 1 : i32
    %scan3A_336:4 = scf.for %scan3A_341 = %scan3A_332 to %scan3A_334 step %scan3A_335 iter_args(%scan3A_342 = %select_n3A_294, %scan3A_343 = %gather3A_306, %scan3A_344 = %gather3A_318, %scan3A_345 = %gather3A_330) -> (vector<16xf32>, vector<16xf32>, vector<16xf32>, vector<16xf32>)  : i32 {
      %eq3A_346 = arith.constant 0 : i32
      %eq3A_347 = arith.cmpi eq, %select_n3A_30, %eq3A_346 : i32
      %convert_element_type3A_348 = arith.extui %eq3A_347 : i1 to i32
      %cond3A_349 = arith.constant 0 : i32
      %cond3A_350 = arith.cmpi ne, %convert_element_type3A_348, %cond3A_349 : i32
      scf.if %cond3A_350 {
        %mul3A_709 = arith.constant 16 : i32
        %mul3A_710 = arith.muli %scan3A_341, %mul3A_709 : i32
        %swap3A_711 = arith.index_cast %mul3A_710 : i32 to index
        %swap3A_712 = tpu.vector_load %arg8[%swap3A_711] {strides = array<i32>} : memref<4096xf32, #tpu.memory_space<vmem>>, vector<16xf32>,
        tpu.vector_store %arg8[%swap3A_711], %scan3A_342 {strides = array<i32>} : memref<4096xf32, #tpu.memory_space<vmem>>, vector<16xf32>,
      } else {
      }
      %broadcast_in_dim3A_351 = vector.broadcast %scan3A_331 : f32 to vector<16xf32>
      %broadcast_in_dim3A_352 = vector.broadcast %scan3A_331 : f32 to vector<16xf32>
      %broadcast_in_dim3A_353 = vector.broadcast %scan3A_331 : f32 to vector<16xf32>
      %broadcast_in_dim3A_354 = vector.broadcast %scan3A_331 : f32 to vector<16xf32>
      %broadcast_in_dim3A_355 = vector.broadcast %scan3A_331 : f32 to vector<16xf32>
      %broadcast_in_dim3A_356 = vector.broadcast %scan3A_331 : f32 to vector<16xf32>
      %broadcast_in_dim3A_357 = vector.broadcast %scan3A_331 : f32 to vector<16xf32>
      %broadcast_in_dim3A_358 = vector.broadcast %scan3A_331 : f32 to vector<16xf32>
      %parallel_loop3A = arith.constant 0 : i32
      %parallel_loop3A_359 = arith.constant 64 : i32
      %parallel_loop3A_360 = arith.constant 1 : i32
      %parallel_loop3A_361:16 = scf.for %parallel_loop3A_709 = %parallel_loop3A to %parallel_loop3A_359 step %parallel_loop3A_360 iter_args(%parallel_loop3A_710 = %broadcast_in_dim3A_351, %parallel_loop3A_711 = %broadcast_in_dim3A_61, %parallel_loop3A_712 = %broadcast_in_dim3A_352, %parallel_loop3A_713 = %broadcast_in_dim3A_61, %parallel_loop3A_714 = %broadcast_in_dim3A_353, %parallel_loop3A_715 = %broadcast_in_dim3A_61, %parallel_loop3A_716 = %broadcast_in_dim3A_354, %parallel_loop3A_717 = %broadcast_in_dim3A_61, %parallel_loop3A_718 = %broadcast_in_dim3A_355, %parallel_loop3A_719 = %broadcast_in_dim3A_61, %parallel_loop3A_720 = %broadcast_in_dim3A_356, %parallel_loop3A_721 = %broadcast_in_dim3A_61, %parallel_loop3A_722 = %broadcast_in_dim3A_357, %parallel_loop3A_723 = %broadcast_in_dim3A_61, %parallel_loop3A_724 = %broadcast_in_dim3A_358, %parallel_loop3A_725 = %broadcast_in_dim3A_61) -> (vector<16xf32>, vector<16xi32>, vector<16xf32>, vector<16xi32>, vector<16xf32>, vector<16xi32>, vector<16xf32>, vector<16xi32>, vector<16xf32>, vector<16xi32>, vector<16xf32>, vector<16xi32>, vector<16xf32>, vector<16xi32>, vector<16xf32>, vector<16xi32>)  : i32 {
        %parallel_loop3A_726 = arith.constant 128 : i32
        %parallel_loop3A_727 = arith.muli %parallel_loop3A_709, %parallel_loop3A_726 : i32
        %parallel_loop3A_728 = arith.constant 0 : i32
        %parallel_loop3A_729 = arith.addi %parallel_loop3A_727, %parallel_loop3A_728 : i32
        %parallel_loop3A_730 = arith.index_cast %parallel_loop3A_729 : i32 to index
        %parallel_loop3A_731 = tpu.vector_load %arg4[%parallel_loop3A_730] {strides = array<i32>} : memref<8192xf32, #tpu.memory_space<vmem>>, vector<16xf32>,
        %parallel_loop3A_732 = arith.subf %parallel_loop3A_731, %scan3A_343 : vector<16xf32>
        %parallel_loop3A_733 = arith.index_cast %parallel_loop3A_729 : i32 to index
        %parallel_loop3A_734 = tpu.vector_load %arg5[%parallel_loop3A_733] {strides = array<i32>} : memref<8192xf32, #tpu.memory_space<vmem>>, vector<16xf32>,
        %parallel_loop3A_735 = arith.subf %parallel_loop3A_734, %scan3A_344 : vector<16xf32>
        %parallel_loop3A_736 = arith.index_cast %parallel_loop3A_729 : i32 to index
        %parallel_loop3A_737 = tpu.vector_load %arg6[%parallel_loop3A_736] {strides = array<i32>} : memref<8192xf32, #tpu.memory_space<vmem>>, vector<16xf32>,
        %parallel_loop3A_738 = arith.subf %parallel_loop3A_737, %scan3A_345 : vector<16xf32>
        %parallel_loop3A_739 = arith.mulf %parallel_loop3A_732, %parallel_loop3A_732 : vector<16xf32>
        %parallel_loop3A_740 = arith.mulf %parallel_loop3A_735, %parallel_loop3A_735 : vector<16xf32>
        %parallel_loop3A_741 = arith.addf %parallel_loop3A_739, %parallel_loop3A_740 : vector<16xf32>
        %parallel_loop3A_742 = arith.mulf %parallel_loop3A_738, %parallel_loop3A_738 : vector<16xf32>
        %parallel_loop3A_743 = arith.addf %parallel_loop3A_741, %parallel_loop3A_742 : vector<16xf32>
        %parallel_loop3A_744 = arith.index_cast %parallel_loop3A_729 : i32 to index
        %parallel_loop3A_745 = tpu.vector_load %arg7[%parallel_loop3A_744] {strides = array<i32>} : memref<8192xf32, #tpu.memory_space<vmem>>, vector<16xf32>,
        %parallel_loop3A_746 = arith.minimumf %parallel_loop3A_745, %parallel_loop3A_743 : vector<16xf32>
        %parallel_loop3A_747 = arith.index_cast %parallel_loop3A_729 : i32 to index
        %parallel_loop3A_748 = tpu.vector_load %arg7[%parallel_loop3A_747] {strides = array<i32>} : memref<8192xf32, #tpu.memory_space<vmem>>, vector<16xf32>,
        tpu.vector_store %arg7[%parallel_loop3A_747], %parallel_loop3A_746 {strides = array<i32>} : memref<8192xf32, #tpu.memory_space<vmem>>, vector<16xf32>,
        %parallel_loop3A_749 = arith.cmpf ogt, %parallel_loop3A_746, %parallel_loop3A_710 : vector<16xf32>
        %parallel_loop3A_750 = arith.select %parallel_loop3A_749, %parallel_loop3A_746, %parallel_loop3A_710 : vector<16xi1>, vector<16xf32>
        %parallel_loop3A_751 = arith.addi %mul3A_32, %parallel_loop3A_727 : i32
        %parallel_loop3A_752 = arith.constant 0 : i32
        %parallel_loop3A_753 = arith.addi %parallel_loop3A_751, %parallel_loop3A_752 : i32
        %parallel_loop3A_754 = vector.broadcast %parallel_loop3A_753 : i32 to vector<16xi32>
        %parallel_loop3A_755 = arith.addi %parallel_loop3A_754, %iota3A : vector<16xi32>
        %parallel_loop3A_756 = arith.select %parallel_loop3A_749, %parallel_loop3A_755, %parallel_loop3A_711 : vector<16xi1>, vector<16xi32>
        %parallel_loop3A_757 = arith.constant 16 : i32
        %parallel_loop3A_758 = arith.addi %parallel_loop3A_727, %parallel_loop3A_757 : i32
        %parallel_loop3A_759 = arith.index_cast %parallel_loop3A_758 : i32 to index
        %parallel_loop3A_760 = tpu.vector_load %arg4[%parallel_loop3A_759] {strides = array<i32>} : memref<8192xf32, #tpu.memory_space<vmem>>, vector<16xf32>,
        %parallel_loop3A_761 = arith.subf %parallel_loop3A_760, %scan3A_343 : vector<16xf32>
        %parallel_loop3A_762 = arith.index_cast %parallel_loop3A_758 : i32 to index
        %parallel_loop3A_763 = tpu.vector_load %arg5[%parallel_loop3A_762] {strides = array<i32>} : memref<8192xf32, #tpu.memory_space<vmem>>, vector<16xf32>,
        %parallel_loop3A_764 = arith.subf %parallel_loop3A_763, %scan3A_344 : vector<16xf32>
        %parallel_loop3A_765 = arith.index_cast %parallel_loop3A_758 : i32 to index
        %parallel_loop3A_766 = tpu.vector_load %arg6[%parallel_loop3A_765] {strides = array<i32>} : memref<8192xf32, #tpu.memory_space<vmem>>, vector<16xf32>,
        %parallel_loop3A_767 = arith.subf %parallel_loop3A_766, %scan3A_345 : vector<16xf32>
        %parallel_loop3A_768 = arith.mulf %parallel_loop3A_761, %parallel_loop3A_761 : vector<16xf32>
        %parallel_loop3A_769 = arith.mulf %parallel_loop3A_764, %parallel_loop3A_764 : vector<16xf32>
        %parallel_loop3A_770 = arith.addf %parallel_loop3A_768, %parallel_loop3A_769 : vector<16xf32>
        %parallel_loop3A_771 = arith.mulf %parallel_loop3A_767, %parallel_loop3A_767 : vector<16xf32>
        %parallel_loop3A_772 = arith.addf %parallel_loop3A_770, %parallel_loop3A_771 : vector<16xf32>
        %parallel_loop3A_773 = arith.index_cast %parallel_loop3A_758 : i32 to index
        %parallel_loop3A_774 = tpu.vector_load %arg7[%parallel_loop3A_773] {strides = array<i32>} : memref<8192xf32, #tpu.memory_space<vmem>>, vector<16xf32>,
        %parallel_loop3A_775 = arith.minimumf %parallel_loop3A_774, %parallel_loop3A_772 : vector<16xf32>
        %parallel_loop3A_776 = arith.index_cast %parallel_loop3A_758 : i32 to index
        %parallel_loop3A_777 = tpu.vector_load %arg7[%parallel_loop3A_776] {strides = array<i32>} : memref<8192xf32, #tpu.memory_space<vmem>>, vector<16xf32>,
        tpu.vector_store %arg7[%parallel_loop3A_776], %parallel_loop3A_775 {strides = array<i32>} : memref<8192xf32, #tpu.memory_space<vmem>>, vector<16xf32>,
        %parallel_loop3A_778 = arith.cmpf ogt, %parallel_loop3A_775, %parallel_loop3A_712 : vector<16xf32>
        %parallel_loop3A_779 = arith.select %parallel_loop3A_778, %parallel_loop3A_775, %parallel_loop3A_712 : vector<16xi1>, vector<16xf32>
        %parallel_loop3A_780 = arith.addi %mul3A_32, %parallel_loop3A_727 : i32
        %parallel_loop3A_781 = arith.constant 16 : i32
        %parallel_loop3A_782 = arith.addi %parallel_loop3A_780, %parallel_loop3A_781 : i32
        %parallel_loop3A_783 = vector.broadcast %parallel_loop3A_782 : i32 to vector<16xi32>
        %parallel_loop3A_784 = arith.addi %parallel_loop3A_783, %iota3A : vector<16xi32>
        %parallel_loop3A_785 = arith.select %parallel_loop3A_778, %parallel_loop3A_784, %parallel_loop3A_713 : vector<16xi1>, vector<16xi32>
        %parallel_loop3A_786 = arith.constant 32 : i32
        %parallel_loop3A_787 = arith.addi %parallel_loop3A_727, %parallel_loop3A_786 : i32
        %parallel_loop3A_788 = arith.index_cast %parallel_loop3A_787 : i32 to index
        %parallel_loop3A_789 = tpu.vector_load %arg4[%parallel_loop3A_788] {strides = array<i32>} : memref<8192xf32, #tpu.memory_space<vmem>>, vector<16xf32>,
        %parallel_loop3A_790 = arith.subf %parallel_loop3A_789, %scan3A_343 : vector<16xf32>
        %parallel_loop3A_791 = arith.index_cast %parallel_loop3A_787 : i32 to index
        %parallel_loop3A_792 = tpu.vector_load %arg5[%parallel_loop3A_791] {strides = array<i32>} : memref<8192xf32, #tpu.memory_space<vmem>>, vector<16xf32>,
        %parallel_loop3A_793 = arith.subf %parallel_loop3A_792, %scan3A_344 : vector<16xf32>
        %parallel_loop3A_794 = arith.index_cast %parallel_loop3A_787 : i32 to index
        %parallel_loop3A_795 = tpu.vector_load %arg6[%parallel_loop3A_794] {strides = array<i32>} : memref<8192xf32, #tpu.memory_space<vmem>>, vector<16xf32>,
        %parallel_loop3A_796 = arith.subf %parallel_loop3A_795, %scan3A_345 : vector<16xf32>
        %parallel_loop3A_797 = arith.mulf %parallel_loop3A_790, %parallel_loop3A_790 : vector<16xf32>
        %parallel_loop3A_798 = arith.mulf %parallel_loop3A_793, %parallel_loop3A_793 : vector<16xf32>
        %parallel_loop3A_799 = arith.addf %parallel_loop3A_797, %parallel_loop3A_798 : vector<16xf32>
        %parallel_loop3A_800 = arith.mulf %parallel_loop3A_796, %parallel_loop3A_796 : vector<16xf32>
        %parallel_loop3A_801 = arith.addf %parallel_loop3A_799, %parallel_loop3A_800 : vector<16xf32>
        %parallel_loop3A_802 = arith.index_cast %parallel_loop3A_787 : i32 to index
        %parallel_loop3A_803 = tpu.vector_load %arg7[%parallel_loop3A_802] {strides = array<i32>} : memref<8192xf32, #tpu.memory_space<vmem>>, vector<16xf32>,
        %parallel_loop3A_804 = arith.minimumf %parallel_loop3A_803, %parallel_loop3A_801 : vector<16xf32>
        %parallel_loop3A_805 = arith.index_cast %parallel_loop3A_787 : i32 to index
        %parallel_loop3A_806 = tpu.vector_load %arg7[%parallel_loop3A_805] {strides = array<i32>} : memref<8192xf32, #tpu.memory_space<vmem>>, vector<16xf32>,
        tpu.vector_store %arg7[%parallel_loop3A_805], %parallel_loop3A_804 {strides = array<i32>} : memref<8192xf32, #tpu.memory_space<vmem>>, vector<16xf32>,
        %parallel_loop3A_807 = arith.cmpf ogt, %parallel_loop3A_804, %parallel_loop3A_714 : vector<16xf32>
        %parallel_loop3A_808 = arith.select %parallel_loop3A_807, %parallel_loop3A_804, %parallel_loop3A_714 : vector<16xi1>, vector<16xf32>
        %parallel_loop3A_809 = arith.addi %mul3A_32, %parallel_loop3A_727 : i32
        %parallel_loop3A_810 = arith.constant 32 : i32
        %parallel_loop3A_811 = arith.addi %parallel_loop3A_809, %parallel_loop3A_810 : i32
        %parallel_loop3A_812 = vector.broadcast %parallel_loop3A_811 : i32 to vector<16xi32>
        %parallel_loop3A_813 = arith.addi %parallel_loop3A_812, %iota3A : vector<16xi32>
        %parallel_loop3A_814 = arith.select %parallel_loop3A_807, %parallel_loop3A_813, %parallel_loop3A_715 : vector<16xi1>, vector<16xi32>
        %parallel_loop3A_815 = arith.constant 48 : i32
        %parallel_loop3A_816 = arith.addi %parallel_loop3A_727, %parallel_loop3A_815 : i32
        %parallel_loop3A_817 = arith.index_cast %parallel_loop3A_816 : i32 to index
        %parallel_loop3A_818 = tpu.vector_load %arg4[%parallel_loop3A_817] {strides = array<i32>} : memref<8192xf32, #tpu.memory_space<vmem>>, vector<16xf32>,
        %parallel_loop3A_819 = arith.subf %parallel_loop3A_818, %scan3A_343 : vector<16xf32>
        %parallel_loop3A_820 = arith.index_cast %parallel_loop3A_816 : i32 to index
        %parallel_loop3A_821 = tpu.vector_load %arg5[%parallel_loop3A_820] {strides = array<i32>} : memref<8192xf32, #tpu.memory_space<vmem>>, vector<16xf32>,
        %parallel_loop3A_822 = arith.subf %parallel_loop3A_821, %scan3A_344 : vector<16xf32>
        %parallel_loop3A_823 = arith.index_cast %parallel_loop3A_816 : i32 to index
        %parallel_loop3A_824 = tpu.vector_load %arg6[%parallel_loop3A_823] {strides = array<i32>} : memref<8192xf32, #tpu.memory_space<vmem>>, vector<16xf32>,
        %parallel_loop3A_825 = arith.subf %parallel_loop3A_824, %scan3A_345 : vector<16xf32>
        %parallel_loop3A_826 = arith.mulf %parallel_loop3A_819, %parallel_loop3A_819 : vector<16xf32>
        %parallel_loop3A_827 = arith.mulf %parallel_loop3A_822, %parallel_loop3A_822 : vector<16xf32>
        %parallel_loop3A_828 = arith.addf %parallel_loop3A_826, %parallel_loop3A_827 : vector<16xf32>
        %parallel_loop3A_829 = arith.mulf %parallel_loop3A_825, %parallel_loop3A_825 : vector<16xf32>
        %parallel_loop3A_830 = arith.addf %parallel_loop3A_828, %parallel_loop3A_829 : vector<16xf32>
        %parallel_loop3A_831 = arith.index_cast %parallel_loop3A_816 : i32 to index
        %parallel_loop3A_832 = tpu.vector_load %arg7[%parallel_loop3A_831] {strides = array<i32>} : memref<8192xf32, #tpu.memory_space<vmem>>, vector<16xf32>,
        %parallel_loop3A_833 = arith.minimumf %parallel_loop3A_832, %parallel_loop3A_830 : vector<16xf32>
        %parallel_loop3A_834 = arith.index_cast %parallel_loop3A_816 : i32 to index
        %parallel_loop3A_835 = tpu.vector_load %arg7[%parallel_loop3A_834] {strides = array<i32>} : memref<8192xf32, #tpu.memory_space<vmem>>, vector<16xf32>,
        tpu.vector_store %arg7[%parallel_loop3A_834], %parallel_loop3A_833 {strides = array<i32>} : memref<8192xf32, #tpu.memory_space<vmem>>, vector<16xf32>,
        %parallel_loop3A_836 = arith.cmpf ogt, %parallel_loop3A_833, %parallel_loop3A_716 : vector<16xf32>
        %parallel_loop3A_837 = arith.select %parallel_loop3A_836, %parallel_loop3A_833, %parallel_loop3A_716 : vector<16xi1>, vector<16xf32>
        %parallel_loop3A_838 = arith.addi %mul3A_32, %parallel_loop3A_727 : i32
        %parallel_loop3A_839 = arith.constant 48 : i32
        %parallel_loop3A_840 = arith.addi %parallel_loop3A_838, %parallel_loop3A_839 : i32
        %parallel_loop3A_841 = vector.broadcast %parallel_loop3A_840 : i32 to vector<16xi32>
        %parallel_loop3A_842 = arith.addi %parallel_loop3A_841, %iota3A : vector<16xi32>
        %parallel_loop3A_843 = arith.select %parallel_loop3A_836, %parallel_loop3A_842, %parallel_loop3A_717 : vector<16xi1>, vector<16xi32>
        %parallel_loop3A_844 = arith.constant 64 : i32
        %parallel_loop3A_845 = arith.addi %parallel_loop3A_727, %parallel_loop3A_844 : i32
        %parallel_loop3A_846 = arith.index_cast %parallel_loop3A_845 : i32 to index
        %parallel_loop3A_847 = tpu.vector_load %arg4[%parallel_loop3A_846] {strides = array<i32>} : memref<8192xf32, #tpu.memory_space<vmem>>, vector<16xf32>,
        %parallel_loop3A_848 = arith.subf %parallel_loop3A_847, %scan3A_343 : vector<16xf32>
        %parallel_loop3A_849 = arith.index_cast %parallel_loop3A_845 : i32 to index
        %parallel_loop3A_850 = tpu.vector_load %arg5[%parallel_loop3A_849] {strides = array<i32>} : memref<8192xf32, #tpu.memory_space<vmem>>, vector<16xf32>,
        %parallel_loop3A_851 = arith.subf %parallel_loop3A_850, %scan3A_344 : vector<16xf32>
        %parallel_loop3A_852 = arith.index_cast %parallel_loop3A_845 : i32 to index
        %parallel_loop3A_853 = tpu.vector_load %arg6[%parallel_loop3A_852] {strides = array<i32>} : memref<8192xf32, #tpu.memory_space<vmem>>, vector<16xf32>,
        %parallel_loop3A_854 = arith.subf %parallel_loop3A_853, %scan3A_345 : vector<16xf32>
        %parallel_loop3A_855 = arith.mulf %parallel_loop3A_848, %parallel_loop3A_848 : vector<16xf32>
        %parallel_loop3A_856 = arith.mulf %parallel_loop3A_851, %parallel_loop3A_851 : vector<16xf32>
        %parallel_loop3A_857 = arith.addf %parallel_loop3A_855, %parallel_loop3A_856 : vector<16xf32>
        %parallel_loop3A_858 = arith.mulf %parallel_loop3A_854, %parallel_loop3A_854 : vector<16xf32>
        %parallel_loop3A_859 = arith.addf %parallel_loop3A_857, %parallel_loop3A_858 : vector<16xf32>
        %parallel_loop3A_860 = arith.index_cast %parallel_loop3A_845 : i32 to index
        %parallel_loop3A_861 = tpu.vector_load %arg7[%parallel_loop3A_860] {strides = array<i32>} : memref<8192xf32, #tpu.memory_space<vmem>>, vector<16xf32>,
        %parallel_loop3A_862 = arith.minimumf %parallel_loop3A_861, %parallel_loop3A_859 : vector<16xf32>
        %parallel_loop3A_863 = arith.index_cast %parallel_loop3A_845 : i32 to index
        %parallel_loop3A_864 = tpu.vector_load %arg7[%parallel_loop3A_863] {strides = array<i32>} : memref<8192xf32, #tpu.memory_space<vmem>>, vector<16xf32>,
        tpu.vector_store %arg7[%parallel_loop3A_863], %parallel_loop3A_862 {strides = array<i32>} : memref<8192xf32, #tpu.memory_space<vmem>>, vector<16xf32>,
        %parallel_loop3A_865 = arith.cmpf ogt, %parallel_loop3A_862, %parallel_loop3A_718 : vector<16xf32>
        %parallel_loop3A_866 = arith.select %parallel_loop3A_865, %parallel_loop3A_862, %parallel_loop3A_718 : vector<16xi1>, vector<16xf32>
        %parallel_loop3A_867 = arith.addi %mul3A_32, %parallel_loop3A_727 : i32
        %parallel_loop3A_868 = arith.constant 64 : i32
        %parallel_loop3A_869 = arith.addi %parallel_loop3A_867, %parallel_loop3A_868 : i32
        %parallel_loop3A_870 = vector.broadcast %parallel_loop3A_869 : i32 to vector<16xi32>
        %parallel_loop3A_871 = arith.addi %parallel_loop3A_870, %iota3A : vector<16xi32>
        %parallel_loop3A_872 = arith.select %parallel_loop3A_865, %parallel_loop3A_871, %parallel_loop3A_719 : vector<16xi1>, vector<16xi32>
        %parallel_loop3A_873 = arith.constant 80 : i32
        %parallel_loop3A_874 = arith.addi %parallel_loop3A_727, %parallel_loop3A_873 : i32
        %parallel_loop3A_875 = arith.index_cast %parallel_loop3A_874 : i32 to index
        %parallel_loop3A_876 = tpu.vector_load %arg4[%parallel_loop3A_875] {strides = array<i32>} : memref<8192xf32, #tpu.memory_space<vmem>>, vector<16xf32>,
        %parallel_loop3A_877 = arith.subf %parallel_loop3A_876, %scan3A_343 : vector<16xf32>
        %parallel_loop3A_878 = arith.index_cast %parallel_loop3A_874 : i32 to index
        %parallel_loop3A_879 = tpu.vector_load %arg5[%parallel_loop3A_878] {strides = array<i32>} : memref<8192xf32, #tpu.memory_space<vmem>>, vector<16xf32>,
        %parallel_loop3A_880 = arith.subf %parallel_loop3A_879, %scan3A_344 : vector<16xf32>
        %parallel_loop3A_881 = arith.index_cast %parallel_loop3A_874 : i32 to index
        %parallel_loop3A_882 = tpu.vector_load %arg6[%parallel_loop3A_881] {strides = array<i32>} : memref<8192xf32, #tpu.memory_space<vmem>>, vector<16xf32>,
        %parallel_loop3A_883 = arith.subf %parallel_loop3A_882, %scan3A_345 : vector<16xf32>
        %parallel_loop3A_884 = arith.mulf %parallel_loop3A_877, %parallel_loop3A_877 : vector<16xf32>
        %parallel_loop3A_885 = arith.mulf %parallel_loop3A_880, %parallel_loop3A_880 : vector<16xf32>
        %parallel_loop3A_886 = arith.addf %parallel_loop3A_884, %parallel_loop3A_885 : vector<16xf32>
        %parallel_loop3A_887 = arith.mulf %parallel_loop3A_883, %parallel_loop3A_883 : vector<16xf32>
        %parallel_loop3A_888 = arith.addf %parallel_loop3A_886, %parallel_loop3A_887 : vector<16xf32>
        %parallel_loop3A_889 = arith.index_cast %parallel_loop3A_874 : i32 to index
        %parallel_loop3A_890 = tpu.vector_load %arg7[%parallel_loop3A_889] {strides = array<i32>} : memref<8192xf32, #tpu.memory_space<vmem>>, vector<16xf32>,
        %parallel_loop3A_891 = arith.minimumf %parallel_loop3A_890, %parallel_loop3A_888 : vector<16xf32>
        %parallel_loop3A_892 = arith.index_cast %parallel_loop3A_874 : i32 to index
        %parallel_loop3A_893 = tpu.vector_load %arg7[%parallel_loop3A_892] {strides = array<i32>} : memref<8192xf32, #tpu.memory_space<vmem>>, vector<16xf32>,
        tpu.vector_store %arg7[%parallel_loop3A_892], %parallel_loop3A_891 {strides = array<i32>} : memref<8192xf32, #tpu.memory_space<vmem>>, vector<16xf32>,
        %parallel_loop3A_894 = arith.cmpf ogt, %parallel_loop3A_891, %parallel_loop3A_720 : vector<16xf32>
        %parallel_loop3A_895 = arith.select %parallel_loop3A_894, %parallel_loop3A_891, %parallel_loop3A_720 : vector<16xi1>, vector<16xf32>
        %parallel_loop3A_896 = arith.addi %mul3A_32, %parallel_loop3A_727 : i32
        %parallel_loop3A_897 = arith.constant 80 : i32
        %parallel_loop3A_898 = arith.addi %parallel_loop3A_896, %parallel_loop3A_897 : i32
        %parallel_loop3A_899 = vector.broadcast %parallel_loop3A_898 : i32 to vector<16xi32>
        %parallel_loop3A_900 = arith.addi %parallel_loop3A_899, %iota3A : vector<16xi32>
        %parallel_loop3A_901 = arith.select %parallel_loop3A_894, %parallel_loop3A_900, %parallel_loop3A_721 : vector<16xi1>, vector<16xi32>
        %parallel_loop3A_902 = arith.constant 96 : i32
        %parallel_loop3A_903 = arith.addi %parallel_loop3A_727, %parallel_loop3A_902 : i32
        %parallel_loop3A_904 = arith.index_cast %parallel_loop3A_903 : i32 to index
        %parallel_loop3A_905 = tpu.vector_load %arg4[%parallel_loop3A_904] {strides = array<i32>} : memref<8192xf32, #tpu.memory_space<vmem>>, vector<16xf32>,
        %parallel_loop3A_906 = arith.subf %parallel_loop3A_905, %scan3A_343 : vector<16xf32>
        %parallel_loop3A_907 = arith.index_cast %parallel_loop3A_903 : i32 to index
        %parallel_loop3A_908 = tpu.vector_load %arg5[%parallel_loop3A_907] {strides = array<i32>} : memref<8192xf32, #tpu.memory_space<vmem>>, vector<16xf32>,
        %parallel_loop3A_909 = arith.subf %parallel_loop3A_908, %scan3A_344 : vector<16xf32>
        %parallel_loop3A_910 = arith.index_cast %parallel_loop3A_903 : i32 to index
        %parallel_loop3A_911 = tpu.vector_load %arg6[%parallel_loop3A_910] {strides = array<i32>} : memref<8192xf32, #tpu.memory_space<vmem>>, vector<16xf32>,
        %parallel_loop3A_912 = arith.subf %parallel_loop3A_911, %scan3A_345 : vector<16xf32>
        %parallel_loop3A_913 = arith.mulf %parallel_loop3A_906, %parallel_loop3A_906 : vector<16xf32>
        %parallel_loop3A_914 = arith.mulf %parallel_loop3A_909, %parallel_loop3A_909 : vector<16xf32>
        %parallel_loop3A_915 = arith.addf %parallel_loop3A_913, %parallel_loop3A_914 : vector<16xf32>
        %parallel_loop3A_916 = arith.mulf %parallel_loop3A_912, %parallel_loop3A_912 : vector<16xf32>
        %parallel_loop3A_917 = arith.addf %parallel_loop3A_915, %parallel_loop3A_916 : vector<16xf32>
        %parallel_loop3A_918 = arith.index_cast %parallel_loop3A_903 : i32 to index
        %parallel_loop3A_919 = tpu.vector_load %arg7[%parallel_loop3A_918] {strides = array<i32>} : memref<8192xf32, #tpu.memory_space<vmem>>, vector<16xf32>,
        %parallel_loop3A_920 = arith.minimumf %parallel_loop3A_919, %parallel_loop3A_917 : vector<16xf32>
        %parallel_loop3A_921 = arith.index_cast %parallel_loop3A_903 : i32 to index
        %parallel_loop3A_922 = tpu.vector_load %arg7[%parallel_loop3A_921] {strides = array<i32>} : memref<8192xf32, #tpu.memory_space<vmem>>, vector<16xf32>,
        tpu.vector_store %arg7[%parallel_loop3A_921], %parallel_loop3A_920 {strides = array<i32>} : memref<8192xf32, #tpu.memory_space<vmem>>, vector<16xf32>,
        %parallel_loop3A_923 = arith.cmpf ogt, %parallel_loop3A_920, %parallel_loop3A_722 : vector<16xf32>
        %parallel_loop3A_924 = arith.select %parallel_loop3A_923, %parallel_loop3A_920, %parallel_loop3A_722 : vector<16xi1>, vector<16xf32>
        %parallel_loop3A_925 = arith.addi %mul3A_32, %parallel_loop3A_727 : i32
        %parallel_loop3A_926 = arith.constant 96 : i32
        %parallel_loop3A_927 = arith.addi %parallel_loop3A_925, %parallel_loop3A_926 : i32
        %parallel_loop3A_928 = vector.broadcast %parallel_loop3A_927 : i32 to vector<16xi32>
        %parallel_loop3A_929 = arith.addi %parallel_loop3A_928, %iota3A : vector<16xi32>
        %parallel_loop3A_930 = arith.select %parallel_loop3A_923, %parallel_loop3A_929, %parallel_loop3A_723 : vector<16xi1>, vector<16xi32>
        %parallel_loop3A_931 = arith.constant 112 : i32
        %parallel_loop3A_932 = arith.addi %parallel_loop3A_727, %parallel_loop3A_931 : i32
        %parallel_loop3A_933 = arith.index_cast %parallel_loop3A_932 : i32 to index
        %parallel_loop3A_934 = tpu.vector_load %arg4[%parallel_loop3A_933] {strides = array<i32>} : memref<8192xf32, #tpu.memory_space<vmem>>, vector<16xf32>,
        %parallel_loop3A_935 = arith.subf %parallel_loop3A_934, %scan3A_343 : vector<16xf32>
        %parallel_loop3A_936 = arith.index_cast %parallel_loop3A_932 : i32 to index
        %parallel_loop3A_937 = tpu.vector_load %arg5[%parallel_loop3A_936] {strides = array<i32>} : memref<8192xf32, #tpu.memory_space<vmem>>, vector<16xf32>,
        %parallel_loop3A_938 = arith.subf %parallel_loop3A_937, %scan3A_344 : vector<16xf32>
        %parallel_loop3A_939 = arith.index_cast %parallel_loop3A_932 : i32 to index
        %parallel_loop3A_940 = tpu.vector_load %arg6[%parallel_loop3A_939] {strides = array<i32>} : memref<8192xf32, #tpu.memory_space<vmem>>, vector<16xf32>,
        %parallel_loop3A_941 = arith.subf %parallel_loop3A_940, %scan3A_345 : vector<16xf32>
        %parallel_loop3A_942 = arith.mulf %parallel_loop3A_935, %parallel_loop3A_935 : vector<16xf32>
        %parallel_loop3A_943 = arith.mulf %parallel_loop3A_938, %parallel_loop3A_938 : vector<16xf32>
        %parallel_loop3A_944 = arith.addf %parallel_loop3A_942, %parallel_loop3A_943 : vector<16xf32>
        %parallel_loop3A_945 = arith.mulf %parallel_loop3A_941, %parallel_loop3A_941 : vector<16xf32>
        %parallel_loop3A_946 = arith.addf %parallel_loop3A_944, %parallel_loop3A_945 : vector<16xf32>
        %parallel_loop3A_947 = arith.index_cast %parallel_loop3A_932 : i32 to index
        %parallel_loop3A_948 = tpu.vector_load %arg7[%parallel_loop3A_947] {strides = array<i32>} : memref<8192xf32, #tpu.memory_space<vmem>>, vector<16xf32>,
        %parallel_loop3A_949 = arith.minimumf %parallel_loop3A_948, %parallel_loop3A_946 : vector<16xf32>
        %parallel_loop3A_950 = arith.index_cast %parallel_loop3A_932 : i32 to index
        %parallel_loop3A_951 = tpu.vector_load %arg7[%parallel_loop3A_950] {strides = array<i32>} : memref<8192xf32, #tpu.memory_space<vmem>>, vector<16xf32>,
        tpu.vector_store %arg7[%parallel_loop3A_950], %parallel_loop3A_949 {strides = array<i32>} : memref<8192xf32, #tpu.memory_space<vmem>>, vector<16xf32>,
        %parallel_loop3A_952 = arith.cmpf ogt, %parallel_loop3A_949, %parallel_loop3A_724 : vector<16xf32>
        %parallel_loop3A_953 = arith.select %parallel_loop3A_952, %parallel_loop3A_949, %parallel_loop3A_724 : vector<16xi1>, vector<16xf32>
        %parallel_loop3A_954 = arith.addi %mul3A_32, %parallel_loop3A_727 : i32
        %parallel_loop3A_955 = arith.constant 112 : i32
        %parallel_loop3A_956 = arith.addi %parallel_loop3A_954, %parallel_loop3A_955 : i32
        %parallel_loop3A_957 = vector.broadcast %parallel_loop3A_956 : i32 to vector<16xi32>
        %parallel_loop3A_958 = arith.addi %parallel_loop3A_957, %iota3A : vector<16xi32>
        %parallel_loop3A_959 = arith.select %parallel_loop3A_952, %parallel_loop3A_958, %parallel_loop3A_725 : vector<16xi1>, vector<16xi32>
        scf.yield %parallel_loop3A_750, %parallel_loop3A_756, %parallel_loop3A_779, %parallel_loop3A_785, %parallel_loop3A_808, %parallel_loop3A_814, %parallel_loop3A_837, %parallel_loop3A_843, %parallel_loop3A_866, %parallel_loop3A_872, %parallel_loop3A_895, %parallel_loop3A_901, %parallel_loop3A_924, %parallel_loop3A_930, %parallel_loop3A_953, %parallel_loop3A_959 : vector<16xf32>, vector<16xi32>, vector<16xf32>, vector<16xi32>, vector<16xf32>, vector<16xi32>, vector<16xf32>, vector<16xi32>, vector<16xf32>, vector<16xi32>, vector<16xf32>, vector<16xi32>, vector<16xf32>, vector<16xi32>, vector<16xf32>, vector<16xi32>
      } {sc.loop_unroll_factor = 1 : i64, sc.parallel_access}
      %gt3A_362 = arith.cmpf ogt, %parallel_loop3A_361#2, %parallel_loop3A_361#0 : vector<16xf32>
      %eq3A_363 = arith.cmpf oeq, %parallel_loop3A_361#2, %parallel_loop3A_361#0 : vector<16xf32>
      %lt3A_364 = arith.cmpi slt, %parallel_loop3A_361#3, %parallel_loop3A_361#1 : vector<16xi32>
      %and3A_365 = arith.andi %eq3A_363, %lt3A_364 : vector<16xi1>
      %or3A_366 = arith.ori %gt3A_362, %and3A_365 : vector<16xi1>
      %select_n3A_367 = arith.select %or3A_366, %parallel_loop3A_361#2, %parallel_loop3A_361#0 : vector<16xi1>, vector<16xf32>
      %select_n3A_368 = arith.select %or3A_366, %parallel_loop3A_361#3, %parallel_loop3A_361#1 : vector<16xi1>, vector<16xi32>
      %gt3A_369 = arith.cmpf ogt, %parallel_loop3A_361#6, %parallel_loop3A_361#4 : vector<16xf32>
      %eq3A_370 = arith.cmpf oeq, %parallel_loop3A_361#6, %parallel_loop3A_361#4 : vector<16xf32>
      %lt3A_371 = arith.cmpi slt, %parallel_loop3A_361#7, %parallel_loop3A_361#5 : vector<16xi32>
      %and3A_372 = arith.andi %eq3A_370, %lt3A_371 : vector<16xi1>
      %or3A_373 = arith.ori %gt3A_369, %and3A_372 : vector<16xi1>
      %select_n3A_374 = arith.select %or3A_373, %parallel_loop3A_361#6, %parallel_loop3A_361#4 : vector<16xi1>, vector<16xf32>
      %select_n3A_375 = arith.select %or3A_373, %parallel_loop3A_361#7, %parallel_loop3A_361#5 : vector<16xi1>, vector<16xi32>
      %gt3A_376 = arith.cmpf ogt, %parallel_loop3A_361#10, %parallel_loop3A_361#8 : vector<16xf32>
      %eq3A_377 = arith.cmpf oeq, %parallel_loop3A_361#10, %parallel_loop3A_361#8 : vector<16xf32>
      %lt3A_378 = arith.cmpi slt, %parallel_loop3A_361#11, %parallel_loop3A_361#9 : vector<16xi32>
      %and3A_379 = arith.andi %eq3A_377, %lt3A_378 : vector<16xi1>
      %or3A_380 = arith.ori %gt3A_376, %and3A_379 : vector<16xi1>
      %select_n3A_381 = arith.select %or3A_380, %parallel_loop3A_361#10, %parallel_loop3A_361#8 : vector<16xi1>, vector<16xf32>
      %select_n3A_382 = arith.select %or3A_380, %parallel_loop3A_361#11, %parallel_loop3A_361#9 : vector<16xi1>, vector<16xi32>
      %gt3A_383 = arith.cmpf ogt, %parallel_loop3A_361#14, %parallel_loop3A_361#12 : vector<16xf32>
      %eq3A_384 = arith.cmpf oeq, %parallel_loop3A_361#14, %parallel_loop3A_361#12 : vector<16xf32>
      %lt3A_385 = arith.cmpi slt, %parallel_loop3A_361#15, %parallel_loop3A_361#13 : vector<16xi32>
      %and3A_386 = arith.andi %eq3A_384, %lt3A_385 : vector<16xi1>
      %or3A_387 = arith.ori %gt3A_383, %and3A_386 : vector<16xi1>
      %select_n3A_388 = arith.select %or3A_387, %parallel_loop3A_361#14, %parallel_loop3A_361#12 : vector<16xi1>, vector<16xf32>
      %select_n3A_389 = arith.select %or3A_387, %parallel_loop3A_361#15, %parallel_loop3A_361#13 : vector<16xi1>, vector<16xi32>
      %gt3A_390 = arith.cmpf ogt, %select_n3A_374, %select_n3A_367 : vector<16xf32>
      %eq3A_391 = arith.cmpf oeq, %select_n3A_374, %select_n3A_367 : vector<16xf32>
      %lt3A_392 = arith.cmpi slt, %select_n3A_375, %select_n3A_368 : vector<16xi32>
      %and3A_393 = arith.andi %eq3A_391, %lt3A_392 : vector<16xi1>
      %or3A_394 = arith.ori %gt3A_390, %and3A_393 : vector<16xi1>
      %select_n3A_395 = arith.select %or3A_394, %select_n3A_374, %select_n3A_367 : vector<16xi1>, vector<16xf32>
      %select_n3A_396 = arith.select %or3A_394, %select_n3A_375, %select_n3A_368 : vector<16xi1>, vector<16xi32>
      %gt3A_397 = arith.cmpf ogt, %select_n3A_388, %select_n3A_381 : vector<16xf32>
      %eq3A_398 = arith.cmpf oeq, %select_n3A_388, %select_n3A_381 : vector<16xf32>
      %lt3A_399 = arith.cmpi slt, %select_n3A_389, %select_n3A_382 : vector<16xi32>
      %and3A_400 = arith.andi %eq3A_398, %lt3A_399 : vector<16xi1>
      %or3A_401 = arith.ori %gt3A_397, %and3A_400 : vector<16xi1>
      %select_n3A_402 = arith.select %or3A_401, %select_n3A_388, %select_n3A_381 : vector<16xi1>, vector<16xf32>
      %select_n3A_403 = arith.select %or3A_401, %select_n3A_389, %select_n3A_382 : vector<16xi1>, vector<16xi32>
      %gt3A_404 = arith.cmpf ogt, %select_n3A_402, %select_n3A_395 : vector<16xf32>
      %eq3A_405 = arith.cmpf oeq, %select_n3A_402, %select_n3A_395 : vector<16xf32>
      %lt3A_406 = arith.cmpi slt, %select_n3A_403, %select_n3A_396 : vector<16xi32>
      %and3A_407 = arith.andi %eq3A_405, %lt3A_406 : vector<16xi1>
      %or3A_408 = arith.ori %gt3A_404, %and3A_407 : vector<16xi1>
      %select_n3A_409 = arith.select %or3A_408, %select_n3A_402, %select_n3A_395 : vector<16xi1>, vector<16xf32>
      %select_n3A_410 = arith.select %or3A_408, %select_n3A_403, %select_n3A_396 : vector<16xi1>, vector<16xi32>
      %reduce_max3A = arith.constant true
      %reduce_max3A_411 = vector.broadcast %reduce_max3A : i1 to vector<16xi1>
      %reduce_max3A_412 = tpu.scan <max>, %select_n3A_409 masked %reduce_max3A_411 : vector<16xf32>, vector<16xi1> -> vector<16xf32>
      %reduce_max3A_413 = vector.extract %reduce_max3A_412[15] : f32 from vector<16xf32>
      %eq3A_414 = vector.broadcast %reduce_max3A_413 : f32 to vector<16xf32>
      %eq3A_415 = arith.cmpf oeq, %select_n3A_409, %eq3A_414 : vector<16xf32>
      %jit3A_416 = arith.constant 16384 : i32
      %broadcast_in_dim3A_417 = vector.broadcast %jit3A_416 : i32 to vector<16xi32>
      %select_n3A_418 = arith.select %eq3A_415, %select_n3A_410, %broadcast_in_dim3A_417 : vector<16xi1>, vector<16xi32>
      %reduce_min3A = arith.constant true
      %reduce_min3A_419 = vector.broadcast %reduce_min3A : i1 to vector<16xi1>
      %reduce_min3A_420 = arith.constant -2147483648 : i32
      %reduce_min3A_421 = vector.broadcast %reduce_min3A_420 : i32 to vector<16xi32>
      %reduce_min3A_422 = arith.xori %select_n3A_418, %reduce_min3A_421 : vector<16xi32>
      %reduce_min3A_423 = tpu.scan <min>, %reduce_min3A_422 masked %reduce_min3A_419 : vector<16xi32>, vector<16xi1> -> vector<16xi32>
      %reduce_min3A_424 = arith.xori %reduce_min3A_423, %reduce_min3A_421 : vector<16xi32>
      %reduce_min3A_425 = vector.extract %reduce_min3A_424[15] : i32 from vector<16xi32>
      %sub3A_426 = arith.subi %reduce_min3A_425, %mul3A_32 : i32
      %broadcast_in_dim3A_427 = vector.broadcast %reduce_max3A_413 : f32 to vector<16xf32>
      %broadcast_in_dim3A_428 = vector.broadcast %reduce_min3A_425 : i32 to vector<16xi32>
      %jit3A_429 = arith.constant 2 : i32
      %eq3A_430 = arith.constant 0 : i32
      %eq3A_431 = arith.cmpi eq, %jit3A_429, %eq3A_430 : i32
      %jit3A_432 = arith.constant 1 : i32
      %select_n3A_433 = arith.select %eq3A_431, %jit3A_432, %jit3A_429 : i32
      %rem3A_434 = arith.remsi %scan3A_341, %select_n3A_433 : i32
      %ne3A_435 = arith.constant 0 : i32
      %ne3A_436 = arith.cmpi ne, %rem3A_434, %ne3A_435 : i32
      %lt3A_437 = arith.constant 0 : i32
      %lt3A_438 = arith.cmpi slt, %rem3A_434, %lt3A_437 : i32
      %lt3A_439 = arith.constant 0 : i32
      %lt3A_440 = arith.cmpi slt, %select_n3A_433, %lt3A_439 : i32
      %ne3A_441 = arith.xori %lt3A_438, %lt3A_440 : i1
      %and3A_442 = arith.andi %ne3A_441, %ne3A_436 : i1
      %add3A_443 = arith.addi %rem3A_434, %select_n3A_433 : i32
      %select_n3A_444 = arith.select %and3A_442, %add3A_443, %rem3A_434 : i32
      %jit3A_445 = arith.constant 16 : i32
      %div3A_446 = arith.divsi %sub3A_426, %jit3A_445 : i32
      %sign3A_447 = arith.constant 0 : i32
      %sign3A_448 = arith.cmpi sgt, %sub3A_426, %sign3A_447 : i32
      %sign3A_449 = arith.extui %sign3A_448 : i1 to i32
      %sign3A_450 = arith.constant 0 : i32
      %sign3A_451 = arith.cmpi slt, %sub3A_426, %sign3A_450 : i32
      %sign3A_452 = arith.extui %sign3A_451 : i1 to i32
      %sign3A_453 = arith.subi %sign3A_449, %sign3A_452 : i32
      %sign3A_454 = arith.constant 0 : i32
      %sign3A_455 = arith.cmpi sgt, %jit3A_445, %sign3A_454 : i32
      %sign3A_456 = arith.extui %sign3A_455 : i1 to i32
      %sign3A_457 = arith.constant 0 : i32
      %sign3A_458 = arith.cmpi slt, %jit3A_445, %sign3A_457 : i32
      %sign3A_459 = arith.extui %sign3A_458 : i1 to i32
      %sign3A_460 = arith.subi %sign3A_456, %sign3A_459 : i32
      %ne3A_461 = arith.cmpi ne, %sign3A_453, %sign3A_460 : i32
      %rem3A_462 = arith.remsi %sub3A_426, %jit3A_445 : i32
      %ne3A_463 = arith.constant 0 : i32
      %ne3A_464 = arith.cmpi ne, %rem3A_462, %ne3A_463 : i32
      %and3A_465 = arith.andi %ne3A_461, %ne3A_464 : i1
      %sub3A_466 = arith.constant 1 : i32
      %sub3A_467 = arith.subi %div3A_446, %sub3A_466 : i32
      %select_n3A_468 = arith.select %and3A_465, %sub3A_467, %div3A_446 : i32
      %mul3A_469 = arith.constant 16 : i32
      %mul3A_470 = arith.muli %select_n3A_468, %mul3A_469 : i32
      %get3A_471 = arith.index_cast %mul3A_470 : i32 to index
      %get3A_472 = tpu.vector_load %arg4[%get3A_471] {strides = array<i32>} : memref<8192xf32, #tpu.memory_space<vmem>>, vector<16xf32>,
      %jit3A_473 = arith.constant 16 : i32
      %eq3A_474 = arith.constant 0 : i32
      %eq3A_475 = arith.cmpi eq, %jit3A_473, %eq3A_474 : i32
      %jit3A_476 = arith.constant 1 : i32
      %select_n3A_477 = arith.select %eq3A_475, %jit3A_476, %jit3A_473 : i32
      %rem3A_478 = arith.remsi %sub3A_426, %select_n3A_477 : i32
      %ne3A_479 = arith.constant 0 : i32
      %ne3A_480 = arith.cmpi ne, %rem3A_478, %ne3A_479 : i32
      %lt3A_481 = arith.constant 0 : i32
      %lt3A_482 = arith.cmpi slt, %rem3A_478, %lt3A_481 : i32
      %lt3A_483 = arith.constant 0 : i32
      %lt3A_484 = arith.cmpi slt, %select_n3A_477, %lt3A_483 : i32
      %ne3A_485 = arith.xori %lt3A_482, %lt3A_484 : i1
      %and3A_486 = arith.andi %ne3A_485, %ne3A_480 : i1
      %add3A_487 = arith.addi %rem3A_478, %select_n3A_477 : i32
      %select_n3A_488 = arith.select %and3A_486, %add3A_487, %rem3A_478 : i32
      %broadcast_in_dim3A_489 = vector.broadcast %select_n3A_488 : i32 to vector<16xi32>
      %lt3A_490 = arith.constant 0 : i32
      %lt3A_491 = vector.broadcast %lt3A_490 : i32 to vector<16xi32>
      %lt3A_492 = arith.cmpi slt, %broadcast_in_dim3A_489, %lt3A_491 : vector<16xi32>
      %add3A_493 = arith.constant 16 : i32
      %add3A_494 = vector.broadcast %add3A_493 : i32 to vector<16xi32>
      %add3A_495 = arith.addi %broadcast_in_dim3A_489, %add3A_494 : vector<16xi32>
      %select_n3A_496 = arith.select %lt3A_492, %add3A_495, %broadcast_in_dim3A_489 : vector<16xi1>, vector<16xi32>
      %reshape3A_497 = vector.shape_cast %select_n3A_496 : vector<16xi32> to vector<16x1xi32>
      %gather3A_498 = vector.shape_cast %reshape3A_497 : vector<16x1xi32> to vector<16xi32>
      %gather3A_499 = tpu.dynamic_gather %get3A_472[%gather3A_498] in [0] : vector<16xf32>, vector<16xi32> -> vector<16xf32>
      %jit3A_500 = arith.constant 16 : i32
      %div3A_501 = arith.divsi %sub3A_426, %jit3A_500 : i32
      %sign3A_502 = arith.constant 0 : i32
      %sign3A_503 = arith.cmpi sgt, %sub3A_426, %sign3A_502 : i32
      %sign3A_504 = arith.extui %sign3A_503 : i1 to i32
      %sign3A_505 = arith.constant 0 : i32
      %sign3A_506 = arith.cmpi slt, %sub3A_426, %sign3A_505 : i32
      %sign3A_507 = arith.extui %sign3A_506 : i1 to i32
      %sign3A_508 = arith.subi %sign3A_504, %sign3A_507 : i32
      %sign3A_509 = arith.constant 0 : i32
      %sign3A_510 = arith.cmpi sgt, %jit3A_500, %sign3A_509 : i32
      %sign3A_511 = arith.extui %sign3A_510 : i1 to i32
      %sign3A_512 = arith.constant 0 : i32
      %sign3A_513 = arith.cmpi slt, %jit3A_500, %sign3A_512 : i32
      %sign3A_514 = arith.extui %sign3A_513 : i1 to i32
      %sign3A_515 = arith.subi %sign3A_511, %sign3A_514 : i32
      %ne3A_516 = arith.cmpi ne, %sign3A_508, %sign3A_515 : i32
      %rem3A_517 = arith.remsi %sub3A_426, %jit3A_500 : i32
      %ne3A_518 = arith.constant 0 : i32
      %ne3A_519 = arith.cmpi ne, %rem3A_517, %ne3A_518 : i32
      %and3A_520 = arith.andi %ne3A_516, %ne3A_519 : i1
      %sub3A_521 = arith.constant 1 : i32
      %sub3A_522 = arith.subi %div3A_501, %sub3A_521 : i32
      %select_n3A_523 = arith.select %and3A_520, %sub3A_522, %div3A_501 : i32
      %mul3A_524 = arith.constant 16 : i32
      %mul3A_525 = arith.muli %select_n3A_523, %mul3A_524 : i32
      %get3A_526 = arith.index_cast %mul3A_525 : i32 to index
      %get3A_527 = tpu.vector_load %arg5[%get3A_526] {strides = array<i32>} : memref<8192xf32, #tpu.memory_space<vmem>>, vector<16xf32>,
      %jit3A_528 = arith.constant 16 : i32
      %eq3A_529 = arith.constant 0 : i32
      %eq3A_530 = arith.cmpi eq, %jit3A_528, %eq3A_529 : i32
      %jit3A_531 = arith.constant 1 : i32
      %select_n3A_532 = arith.select %eq3A_530, %jit3A_531, %jit3A_528 : i32
      %rem3A_533 = arith.remsi %sub3A_426, %select_n3A_532 : i32
      %ne3A_534 = arith.constant 0 : i32
      %ne3A_535 = arith.cmpi ne, %rem3A_533, %ne3A_534 : i32
      %lt3A_536 = arith.constant 0 : i32
      %lt3A_537 = arith.cmpi slt, %rem3A_533, %lt3A_536 : i32
      %lt3A_538 = arith.constant 0 : i32
      %lt3A_539 = arith.cmpi slt, %select_n3A_532, %lt3A_538 : i32
      %ne3A_540 = arith.xori %lt3A_537, %lt3A_539 : i1
      %and3A_541 = arith.andi %ne3A_540, %ne3A_535 : i1
      %add3A_542 = arith.addi %rem3A_533, %select_n3A_532 : i32
      %select_n3A_543 = arith.select %and3A_541, %add3A_542, %rem3A_533 : i32
      %broadcast_in_dim3A_544 = vector.broadcast %select_n3A_543 : i32 to vector<16xi32>
      %lt3A_545 = arith.constant 0 : i32
      %lt3A_546 = vector.broadcast %lt3A_545 : i32 to vector<16xi32>
      %lt3A_547 = arith.cmpi slt, %broadcast_in_dim3A_544, %lt3A_546 : vector<16xi32>
      %add3A_548 = arith.constant 16 : i32
      %add3A_549 = vector.broadcast %add3A_548 : i32 to vector<16xi32>
      %add3A_550 = arith.addi %broadcast_in_dim3A_544, %add3A_549 : vector<16xi32>
      %select_n3A_551 = arith.select %lt3A_547, %add3A_550, %broadcast_in_dim3A_544 : vector<16xi1>, vector<16xi32>
      %reshape3A_552 = vector.shape_cast %select_n3A_551 : vector<16xi32> to vector<16x1xi32>
      %gather3A_553 = vector.shape_cast %reshape3A_552 : vector<16x1xi32> to vector<16xi32>
      %gather3A_554 = tpu.dynamic_gather %get3A_527[%gather3A_553] in [0] : vector<16xf32>, vector<16xi32> -> vector<16xf32>
      %jit3A_555 = arith.constant 16 : i32
      %div3A_556 = arith.divsi %sub3A_426, %jit3A_555 : i32
      %sign3A_557 = arith.constant 0 : i32
      %sign3A_558 = arith.cmpi sgt, %sub3A_426, %sign3A_557 : i32
      %sign3A_559 = arith.extui %sign3A_558 : i1 to i32
      %sign3A_560 = arith.constant 0 : i32
      %sign3A_561 = arith.cmpi slt, %sub3A_426, %sign3A_560 : i32
      %sign3A_562 = arith.extui %sign3A_561 : i1 to i32
      %sign3A_563 = arith.subi %sign3A_559, %sign3A_562 : i32
      %sign3A_564 = arith.constant 0 : i32
      %sign3A_565 = arith.cmpi sgt, %jit3A_555, %sign3A_564 : i32
      %sign3A_566 = arith.extui %sign3A_565 : i1 to i32
      %sign3A_567 = arith.constant 0 : i32
      %sign3A_568 = arith.cmpi slt, %jit3A_555, %sign3A_567 : i32
      %sign3A_569 = arith.extui %sign3A_568 : i1 to i32
      %sign3A_570 = arith.subi %sign3A_566, %sign3A_569 : i32
      %ne3A_571 = arith.cmpi ne, %sign3A_563, %sign3A_570 : i32
      %rem3A_572 = arith.remsi %sub3A_426, %jit3A_555 : i32
      %ne3A_573 = arith.constant 0 : i32
      %ne3A_574 = arith.cmpi ne, %rem3A_572, %ne3A_573 : i32
      %and3A_575 = arith.andi %ne3A_571, %ne3A_574 : i1
      %sub3A_576 = arith.constant 1 : i32
      %sub3A_577 = arith.subi %div3A_556, %sub3A_576 : i32
      %select_n3A_578 = arith.select %and3A_575, %sub3A_577, %div3A_556 : i32
      %mul3A_579 = arith.constant 16 : i32
      %mul3A_580 = arith.muli %select_n3A_578, %mul3A_579 : i32
      %get3A_581 = arith.index_cast %mul3A_580 : i32 to index
      %get3A_582 = tpu.vector_load %arg6[%get3A_581] {strides = array<i32>} : memref<8192xf32, #tpu.memory_space<vmem>>, vector<16xf32>,
      %jit3A_583 = arith.constant 16 : i32
      %eq3A_584 = arith.constant 0 : i32
      %eq3A_585 = arith.cmpi eq, %jit3A_583, %eq3A_584 : i32
      %jit3A_586 = arith.constant 1 : i32
      %select_n3A_587 = arith.select %eq3A_585, %jit3A_586, %jit3A_583 : i32
      %rem3A_588 = arith.remsi %sub3A_426, %select_n3A_587 : i32
      %ne3A_589 = arith.constant 0 : i32
      %ne3A_590 = arith.cmpi ne, %rem3A_588, %ne3A_589 : i32
      %lt3A_591 = arith.constant 0 : i32
      %lt3A_592 = arith.cmpi slt, %rem3A_588, %lt3A_591 : i32
      %lt3A_593 = arith.constant 0 : i32
      %lt3A_594 = arith.cmpi slt, %select_n3A_587, %lt3A_593 : i32
      %ne3A_595 = arith.xori %lt3A_592, %lt3A_594 : i1
      %and3A_596 = arith.andi %ne3A_595, %ne3A_590 : i1
      %add3A_597 = arith.addi %rem3A_588, %select_n3A_587 : i32
      %select_n3A_598 = arith.select %and3A_596, %add3A_597, %rem3A_588 : i32
      %broadcast_in_dim3A_599 = vector.broadcast %select_n3A_598 : i32 to vector<16xi32>
      %lt3A_600 = arith.constant 0 : i32
      %lt3A_601 = vector.broadcast %lt3A_600 : i32 to vector<16xi32>
      %lt3A_602 = arith.cmpi slt, %broadcast_in_dim3A_599, %lt3A_601 : vector<16xi32>
      %add3A_603 = arith.constant 16 : i32
      %add3A_604 = vector.broadcast %add3A_603 : i32 to vector<16xi32>
      %add3A_605 = arith.addi %broadcast_in_dim3A_599, %add3A_604 : vector<16xi32>
      %select_n3A_606 = arith.select %lt3A_602, %add3A_605, %broadcast_in_dim3A_599 : vector<16xi1>, vector<16xi32>
      %reshape3A_607 = vector.shape_cast %select_n3A_606 : vector<16xi32> to vector<16x1xi32>
      %gather3A_608 = vector.shape_cast %reshape3A_607 : vector<16x1xi32> to vector<16xi32>
      %gather3A_609 = tpu.dynamic_gather %get3A_582[%gather3A_608] in [0] : vector<16xf32>, vector<16xi32> -> vector<16xf32>
      %eq3A_610 = arith.constant 1 : i32
      %eq3A_611 = vector.broadcast %eq3A_610 : i32 to vector<16xi32>
      %eq3A_612 = arith.cmpi eq, %iota3A, %eq3A_611 : vector<16xi32>
      %select_n3A_613 = arith.select %eq3A_612, %gather3A_499, %broadcast_in_dim3A_427 : vector<16xi1>, vector<16xf32>
      %eq3A_614 = arith.constant 2 : i32
      %eq3A_615 = vector.broadcast %eq3A_614 : i32 to vector<16xi32>
      %eq3A_616 = arith.cmpi eq, %iota3A, %eq3A_615 : vector<16xi32>
      %select_n3A_617 = arith.select %eq3A_616, %gather3A_554, %select_n3A_613 : vector<16xi1>, vector<16xf32>
      %eq3A_618 = arith.constant 3 : i32
      %eq3A_619 = vector.broadcast %eq3A_618 : i32 to vector<16xi32>
      %eq3A_620 = arith.cmpi eq, %iota3A, %eq3A_619 : vector<16xi32>
      %select_n3A_621 = arith.select %eq3A_620, %gather3A_609, %select_n3A_617 : vector<16xi1>, vector<16xf32>
      %eq3A_622 = arith.constant 4 : i32
      %eq3A_623 = vector.broadcast %eq3A_622 : i32 to vector<16xi32>
      %eq3A_624 = arith.cmpi eq, %iota3A, %eq3A_623 : vector<16xi32>
      %bitcast3A_625 = vector.bitcast %broadcast_in_dim3A_428 : vector<16xi32> to vector<16xf32>
      %select_n3A_626 = arith.select %eq3A_624, %bitcast3A_625, %select_n3A_621 : vector<16xi1>, vector<16xf32>
      %swap3A_627 = arith.constant 0 : index
      %swap3A_628 = tpu.vector_load %arg9[%swap3A_627] {strides = array<i32>} : memref<16xf32, #tpu.memory_space<vmem>>, vector<16xf32>,
      tpu.vector_store %arg9[%swap3A_627], %select_n3A_626 {strides = array<i32>} : memref<16xf32, #tpu.memory_space<vmem>>, vector<16xf32>,
      %mul3A_629 = arith.constant 256 : i32
      %mul3A_630 = arith.muli %select_n3A_444, %mul3A_629 : i32
      %mul3A_631 = arith.constant 16 : i32
      %mul3A_632 = arith.muli %arg1, %mul3A_631 : i32
      %add3A_633 = arith.addi %mul3A_630, %mul3A_632 : i32
      "tpu.region"() ({
        %run_scoped3A = tpu.sem_alloc : memref<!tpu.dma_semaphore, #tpu.memory_space<semaphore_mem>>
        %dma_start3A = tpu.memref_slice %arg11[%add3A_633] : memref<512xf32, #tpu.memory_space<vmem_shared>> -> memref<16xf32, #tpu.memory_space<vmem_shared>>
        %dma_start3A_709 = tpu.memref_slice %arg11[%add3A_633] : memref<512xf32, #tpu.memory_space<vmem_shared>> -> memref<16xf32, #tpu.memory_space<vmem_shared>>
        tpu.enqueue_dma source(%arg9 : memref<16xf32, #tpu.memory_space<vmem>>) target(%dma_start3A_709 : memref<16xf32, #tpu.memory_space<vmem_shared>>) target_semaphore(%run_scoped3A : memref<!tpu.dma_semaphore, #tpu.memory_space<semaphore_mem>>)
        %dma_wait3A = tpu.memref_slice %arg11[%add3A_633] : memref<512xf32, #tpu.memory_space<vmem_shared>> -> memref<16xf32, #tpu.memory_space<vmem_shared>>
        %dma_wait3A_710 = tpu.memref_slice %arg11[%add3A_633] : memref<512xf32, #tpu.memory_space<vmem_shared>> -> memref<16xf32, #tpu.memory_space<vmem_shared>>
        tpu.wait_dma2 semaphore(%run_scoped3A : memref<!tpu.dma_semaphore, #tpu.memory_space<semaphore_mem>>) src(%arg9 : memref<16xf32, #tpu.memory_space<vmem>>) dst(%dma_wait3A_710 : memref<16xf32, #tpu.memory_space<vmem_shared>>)
        tpu.yield
      }) : () -> ()
      %barrier3A_634 = arith.constant 0 : index
      tpu.barrier barrier_id(%barrier3A_634)
      %xor3A_635 = arith.constant 1 : i32
      %xor3A_636 = arith.xori %arg1, %xor3A_635 : i32
      %mul3A_637 = arith.constant 16 : i32
      %mul3A_638 = arith.muli %xor3A_636, %mul3A_637 : i32
      %add3A_639 = arith.addi %mul3A_630, %mul3A_638 : i32
      "tpu.region"() ({
        %run_scoped3A = tpu.sem_alloc : memref<!tpu.dma_semaphore, #tpu.memory_space<semaphore_mem>>
        %dma_start3A = tpu.memref_slice %arg11[%add3A_639] : memref<512xf32, #tpu.memory_space<vmem_shared>> -> memref<16xf32, #tpu.memory_space<vmem_shared>>
        %dma_start3A_709 = tpu.memref_slice %arg11[%add3A_639] : memref<512xf32, #tpu.memory_space<vmem_shared>> -> memref<16xf32, #tpu.memory_space<vmem_shared>>
        tpu.enqueue_dma source(%dma_start3A_709 : memref<16xf32, #tpu.memory_space<vmem_shared>>) target(%arg10 : memref<16xf32, #tpu.memory_space<vmem>>) target_semaphore(%run_scoped3A : memref<!tpu.dma_semaphore, #tpu.memory_space<semaphore_mem>>)
        %dma_wait3A = tpu.memref_slice %arg11[%add3A_639] : memref<512xf32, #tpu.memory_space<vmem_shared>> -> memref<16xf32, #tpu.memory_space<vmem_shared>>
        %dma_wait3A_710 = tpu.memref_slice %arg11[%add3A_639] : memref<512xf32, #tpu.memory_space<vmem_shared>> -> memref<16xf32, #tpu.memory_space<vmem_shared>>
        tpu.wait_dma2 semaphore(%run_scoped3A : memref<!tpu.dma_semaphore, #tpu.memory_space<semaphore_mem>>) src(%dma_wait3A_710 : memref<16xf32, #tpu.memory_space<vmem_shared>>) dst(%arg10 : memref<16xf32, #tpu.memory_space<vmem>>)
        tpu.yield
      }) : () -> ()
      %get3A_640 = arith.constant 0 : index
      %get3A_641 = tpu.vector_load %arg10[%get3A_640] {strides = array<i32>} : memref<16xf32, #tpu.memory_space<vmem>>, vector<16xf32>,
      %broadcast_in_dim3A_642 = arith.constant 0 : i32
      %broadcast_in_dim3A_643 = vector.broadcast %broadcast_in_dim3A_642 : i32 to vector<16xi32>
      %lt3A_644 = arith.constant 0 : i32
      %lt3A_645 = vector.broadcast %lt3A_644 : i32 to vector<16xi32>
      %lt3A_646 = arith.cmpi slt, %broadcast_in_dim3A_643, %lt3A_645 : vector<16xi32>
      %add3A_647 = arith.constant 16 : i32
      %add3A_648 = vector.broadcast %add3A_647 : i32 to vector<16xi32>
      %add3A_649 = arith.addi %broadcast_in_dim3A_643, %add3A_648 : vector<16xi32>
      %select_n3A_650 = arith.select %lt3A_646, %add3A_649, %broadcast_in_dim3A_643 : vector<16xi1>, vector<16xi32>
      %reshape3A_651 = vector.shape_cast %select_n3A_650 : vector<16xi32> to vector<16x1xi32>
      %gather3A_652 = vector.shape_cast %reshape3A_651 : vector<16x1xi32> to vector<16xi32>
      %gather3A_653 = tpu.dynamic_gather %get3A_641[%gather3A_652] in [0] : vector<16xf32>, vector<16xi32> -> vector<16xf32>
      %broadcast_in_dim3A_654 = arith.constant 4 : i32
      %broadcast_in_dim3A_655 = vector.broadcast %broadcast_in_dim3A_654 : i32 to vector<16xi32>
      %lt3A_656 = arith.constant 0 : i32
      %lt3A_657 = vector.broadcast %lt3A_656 : i32 to vector<16xi32>
      %lt3A_658 = arith.cmpi slt, %broadcast_in_dim3A_655, %lt3A_657 : vector<16xi32>
      %add3A_659 = arith.constant 16 : i32
      %add3A_660 = vector.broadcast %add3A_659 : i32 to vector<16xi32>
      %add3A_661 = arith.addi %broadcast_in_dim3A_655, %add3A_660 : vector<16xi32>
      %select_n3A_662 = arith.select %lt3A_658, %add3A_661, %broadcast_in_dim3A_655 : vector<16xi1>, vector<16xi32>
      %reshape3A_663 = vector.shape_cast %select_n3A_662 : vector<16xi32> to vector<16x1xi32>
      %gather3A_664 = vector.shape_cast %reshape3A_663 : vector<16x1xi32> to vector<16xi32>
      %gather3A_665 = tpu.dynamic_gather %get3A_641[%gather3A_664] in [0] : vector<16xf32>, vector<16xi32> -> vector<16xf32>
      %bitcast3A_666 = vector.bitcast %gather3A_665 : vector<16xf32> to vector<16xi32>
      %gt3A_667 = arith.cmpf ogt, %gather3A_653, %broadcast_in_dim3A_427 : vector<16xf32>
      %eq3A_668 = arith.cmpf oeq, %gather3A_653, %broadcast_in_dim3A_427 : vector<16xf32>
      %lt3A_669 = arith.cmpi slt, %bitcast3A_666, %broadcast_in_dim3A_428 : vector<16xi32>
      %and3A_670 = arith.andi %eq3A_668, %lt3A_669 : vector<16xi1>
      %or3A_671 = arith.ori %gt3A_667, %and3A_670 : vector<16xi1>
      %select_n3A_672 = arith.select %or3A_671, %get3A_641, %select_n3A_626 : vector<16xi1>, vector<16xf32>
      %broadcast_in_dim3A_673 = arith.constant 1 : i32
      %broadcast_in_dim3A_674 = vector.broadcast %broadcast_in_dim3A_673 : i32 to vector<16xi32>
      %lt3A_675 = arith.constant 0 : i32
      %lt3A_676 = vector.broadcast %lt3A_675 : i32 to vector<16xi32>
      %lt3A_677 = arith.cmpi slt, %broadcast_in_dim3A_674, %lt3A_676 : vector<16xi32>
      %add3A_678 = arith.constant 16 : i32
      %add3A_679 = vector.broadcast %add3A_678 : i32 to vector<16xi32>
      %add3A_680 = arith.addi %broadcast_in_dim3A_674, %add3A_679 : vector<16xi32>
      %select_n3A_681 = arith.select %lt3A_677, %add3A_680, %broadcast_in_dim3A_674 : vector<16xi1>, vector<16xi32>
      %reshape3A_682 = vector.shape_cast %select_n3A_681 : vector<16xi32> to vector<16x1xi32>
      %gather3A_683 = vector.shape_cast %reshape3A_682 : vector<16x1xi32> to vector<16xi32>
      %gather3A_684 = tpu.dynamic_gather %select_n3A_672[%gather3A_683] in [0] : vector<16xf32>, vector<16xi32> -> vector<16xf32>
      %broadcast_in_dim3A_685 = arith.constant 2 : i32
      %broadcast_in_dim3A_686 = vector.broadcast %broadcast_in_dim3A_685 : i32 to vector<16xi32>
      %lt3A_687 = arith.constant 0 : i32
      %lt3A_688 = vector.broadcast %lt3A_687 : i32 to vector<16xi32>
      %lt3A_689 = arith.cmpi slt, %broadcast_in_dim3A_686, %lt3A_688 : vector<16xi32>
      %add3A_690 = arith.constant 16 : i32
      %add3A_691 = vector.broadcast %add3A_690 : i32 to vector<16xi32>
      %add3A_692 = arith.addi %broadcast_in_dim3A_686, %add3A_691 : vector<16xi32>
      %select_n3A_693 = arith.select %lt3A_689, %add3A_692, %broadcast_in_dim3A_686 : vector<16xi1>, vector<16xi32>
      %reshape3A_694 = vector.shape_cast %select_n3A_693 : vector<16xi32> to vector<16x1xi32>
      %gather3A_695 = vector.shape_cast %reshape3A_694 : vector<16x1xi32> to vector<16xi32>
      %gather3A_696 = tpu.dynamic_gather %select_n3A_672[%gather3A_695] in [0] : vector<16xf32>, vector<16xi32> -> vector<16xf32>
      %broadcast_in_dim3A_697 = arith.constant 3 : i32
      %broadcast_in_dim3A_698 = vector.broadcast %broadcast_in_dim3A_697 : i32 to vector<16xi32>
      %lt3A_699 = arith.constant 0 : i32
      %lt3A_700 = vector.broadcast %lt3A_699 : i32 to vector<16xi32>
      %lt3A_701 = arith.cmpi slt, %broadcast_in_dim3A_698, %lt3A_700 : vector<16xi32>
      %add3A_702 = arith.constant 16 : i32
      %add3A_703 = vector.broadcast %add3A_702 : i32 to vector<16xi32>
      %add3A_704 = arith.addi %broadcast_in_dim3A_698, %add3A_703 : vector<16xi32>
      %select_n3A_705 = arith.select %lt3A_701, %add3A_704, %broadcast_in_dim3A_698 : vector<16xi1>, vector<16xi32>
      %reshape3A_706 = vector.shape_cast %select_n3A_705 : vector<16xi32> to vector<16x1xi32>
      %gather3A_707 = vector.shape_cast %reshape3A_706 : vector<16x1xi32> to vector<16xi32>
      %gather3A_708 = tpu.dynamic_gather %select_n3A_672[%gather3A_707] in [0] : vector<16xf32>, vector<16xi32> -> vector<16xf32>
      scf.yield %select_n3A_672, %gather3A_684, %gather3A_696, %gather3A_708 : vector<16xf32>, vector<16xf32>, vector<16xf32>, vector<16xf32>
    }
    %scan3A_337 = arith.constant 256 : i32
    %eq3A_338 = arith.constant 0 : i32
    %eq3A_339 = arith.cmpi eq, %select_n3A_30, %eq3A_338 : i32
    %convert_element_type3A = arith.extui %eq3A_339 : i1 to i32
    %cond3A = arith.constant 0 : i32
    %cond3A_340 = arith.cmpi ne, %convert_element_type3A, %cond3A : i32
    scf.if %cond3A_340 {
      %mul3A_341 = arith.constant 256 : i32
      %mul3A_342 = arith.muli %add3A, %mul3A_341 : i32
      %mul3A_343 = arith.constant 16 : i32
      %mul3A_344 = arith.muli %mul3A_342, %mul3A_343 : i32
      "tpu.region"() ({
        %run_scoped3A = tpu.sem_alloc : memref<!tpu.dma_semaphore, #tpu.memory_space<semaphore_mem>>
        %dma_start3A = tpu.memref_slice %arg3[%mul3A_344] : memref<65536xf32, #tpu.memory_space<hbm>> -> memref<4096xf32, #tpu.memory_space<hbm>>
        %dma_start3A_345 = tpu.memref_slice %arg3[%mul3A_344] : memref<65536xf32, #tpu.memory_space<hbm>> -> memref<4096xf32, #tpu.memory_space<hbm>>
        tpu.enqueue_dma source(%arg8 : memref<4096xf32, #tpu.memory_space<vmem>>) target(%dma_start3A_345 : memref<4096xf32, #tpu.memory_space<hbm>>) target_semaphore(%run_scoped3A : memref<!tpu.dma_semaphore, #tpu.memory_space<semaphore_mem>>)
        %dma_wait3A = tpu.memref_slice %arg3[%mul3A_344] : memref<65536xf32, #tpu.memory_space<hbm>> -> memref<4096xf32, #tpu.memory_space<hbm>>
        %dma_wait3A_346 = tpu.memref_slice %arg3[%mul3A_344] : memref<65536xf32, #tpu.memory_space<hbm>> -> memref<4096xf32, #tpu.memory_space<hbm>>
        tpu.wait_dma2 semaphore(%run_scoped3A : memref<!tpu.dma_semaphore, #tpu.memory_space<semaphore_mem>>) src(%arg8 : memref<4096xf32, #tpu.memory_space<vmem>>) dst(%dma_wait3A_346 : memref<4096xf32, #tpu.memory_space<hbm>>)
        tpu.yield
      }) : () -> ()
    } else {
    }
    return
  }
}

module attributes {stable_mosaic.version = 14 : i64} {
  func.func @body(%arg0: i32, %arg1: i32, %arg2: memref<1x3x2048xf32, #tpu.memory_space<vmem>>, %arg3: memref<64x3xf32, #tpu.memory_space<vmem>>, %arg4: memref<64x1xf32, #tpu.memory_space<vmem>>, %arg5: memref<128x64xf32, #tpu.memory_space<vmem>>, %arg6: memref<128x1xf32, #tpu.memory_space<vmem>>, %arg7: memref<1x1x128xf32, #tpu.memory_space<vmem>>) attributes {dimension_semantics = [#tpu.dimension_semantics<arbitrary>, #tpu.dimension_semantics<arbitrary>], iteration_bounds = array<i64: 16, 8>, scalar_prefetch = 0 : i64, scratch_operands = 0 : i64, tpu.core_type = #tpu.core_type<tc>, window_params = [{transform_indices = @transform_0, window_bounds = array<i64: 1, 3, 2048>}, {pipeline_mode = #tpu.pipeline_mode<synchronous>, transform_indices = @transform_1, window_bounds = array<i64: 64, 3>}, {pipeline_mode = #tpu.pipeline_mode<synchronous>, transform_indices = @transform_2, window_bounds = array<i64: 64, 1>}, {pipeline_mode = #tpu.pipeline_mode<synchronous>, transform_indices = @transform_3, window_bounds = array<i64: 128, 64>}, {pipeline_mode = #tpu.pipeline_mode<synchronous>, transform_indices = @transform_4, window_bounds = array<i64: 128, 1>}, {transform_indices = @transform_5, window_bounds = array<i64: 1, 1, 128>}]} {
    %eq3A = arith.constant 0 : i32
    %eq3A_0 = arith.cmpi eq, %arg1, %eq3A : i32
    %convert_element_type3A = arith.extui %eq3A_0 : i1 to i32
    %cond3A = arith.constant 0 : i32
    %cond3A_1 = arith.cmpi ne, %convert_element_type3A, %cond3A : i32
    scf.if %cond3A_1 {
      %broadcast_in_dim3A_53 = arith.constant 0.000000e+00 : f32
      %broadcast_in_dim3A_54 = vector.broadcast %broadcast_in_dim3A_53 : f32 to vector<1x1x128xf32>
      %swap3A_55 = arith.constant 0 : index
      %swap3A_56 = arith.constant 0 : index
      %swap3A_57 = arith.constant 0 : index
      %swap3A_58 = vector.load %arg7[%swap3A_55, %swap3A_56, %swap3A_57] : memref<1x1x128xf32, #tpu.memory_space<vmem>>, vector<1x1x128xf32>
      tpu.vector_store %arg7[%swap3A_55, %swap3A_56, %swap3A_57], %broadcast_in_dim3A_54 {strides = array<i32>} : memref<1x1x128xf32, #tpu.memory_space<vmem>>, vector<1x1x128xf32>,
    } else {
    }
    %get3A = arith.constant 0 : index
    %get3A_2 = arith.constant 0 : index
    %get3A_3 = arith.constant 0 : index
    %get3A_4 = vector.load %arg2[%get3A, %get3A_2, %get3A_3] : memref<1x3x2048xf32, #tpu.memory_space<vmem>>, vector<1x3x2048xf32>
    %get3A_5 = vector.shape_cast %get3A_4 : vector<1x3x2048xf32> to vector<3x2048xf32>
    %get3A_6 = arith.constant 0 : index
    %get3A_7 = arith.constant 0 : index
    %get3A_8 = vector.load %arg3[%get3A_6, %get3A_7] : memref<64x3xf32, #tpu.memory_space<vmem>>, vector<64x3xf32>
    %dot_general3A = arith.constant dense<0.000000e+00> : vector<64x2048xf32>
    %dot_general3A_9 = tpu.matmul %get3A_8, %get3A_5, %dot_general3A {dimension_numbers = #tpu.dot_dimension_numbers<[1], [0], [0], [1], [0, 0, 1, 1], [], []>, transpose_lhs_hint = false} : vector<64x3xf32>, vector<3x2048xf32>, vector<64x2048xf32> -> vector<64x2048xf32>
    %get3A_10 = arith.constant 0 : index
    %get3A_11 = arith.constant 0 : index
    %get3A_12 = vector.load %arg4[%get3A_10, %get3A_11] : memref<64x1xf32, #tpu.memory_space<vmem>>, vector<64x1xf32>
    %add3A = vector.broadcast %get3A_12 : vector<64x1xf32> to vector<64x2048xf32>
    %add3A_13 = arith.addf %dot_general3A_9, %add3A : vector<64x2048xf32>
    %mul3A = arith.constant 5.000000e-01 : f32
    %mul3A_14 = vector.broadcast %mul3A : f32 to vector<64x2048xf32>
    %mul3A_15 = arith.mulf %add3A_13, %mul3A_14 : vector<64x2048xf32>
    %mul3A_16 = arith.constant 0.707106769 : f32
    %mul3A_17 = vector.broadcast %mul3A_16 : f32 to vector<64x2048xf32>
    %mul3A_18 = arith.mulf %add3A_13, %mul3A_17 : vector<64x2048xf32>
    %erf3A = math.erf %mul3A_18 : vector<64x2048xf32>
    %add3A_19 = arith.constant 1.000000e+00 : f32
    %add3A_20 = vector.broadcast %add3A_19 : f32 to vector<64x2048xf32>
    %add3A_21 = arith.addf %add3A_20, %erf3A : vector<64x2048xf32>
    %mul3A_22 = arith.mulf %mul3A_15, %add3A_21 : vector<64x2048xf32>
    %get3A_23 = arith.constant 0 : index
    %get3A_24 = arith.constant 0 : index
    %get3A_25 = vector.load %arg5[%get3A_23, %get3A_24] : memref<128x64xf32, #tpu.memory_space<vmem>>, vector<128x64xf32>
    %dot_general3A_26 = arith.constant dense<0.000000e+00> : vector<128x2048xf32>
    %dot_general3A_27 = tpu.matmul %get3A_25, %mul3A_22, %dot_general3A_26 {dimension_numbers = #tpu.dot_dimension_numbers<[1], [0], [0], [1], [0, 0, 1, 1], [], []>, transpose_lhs_hint = false} : vector<128x64xf32>, vector<64x2048xf32>, vector<128x2048xf32> -> vector<128x2048xf32>
    %get3A_28 = arith.constant 0 : index
    %get3A_29 = arith.constant 0 : index
    %get3A_30 = vector.load %arg6[%get3A_28, %get3A_29] : memref<128x1xf32, #tpu.memory_space<vmem>>, vector<128x1xf32>
    %add3A_31 = vector.broadcast %get3A_30 : vector<128x1xf32> to vector<128x2048xf32>
    %add3A_32 = arith.addf %dot_general3A_27, %add3A_31 : vector<128x2048xf32>
    %mul3A_33 = arith.constant 5.000000e-01 : f32
    %mul3A_34 = vector.broadcast %mul3A_33 : f32 to vector<128x2048xf32>
    %mul3A_35 = arith.mulf %add3A_32, %mul3A_34 : vector<128x2048xf32>
    %mul3A_36 = arith.constant 0.707106769 : f32
    %mul3A_37 = vector.broadcast %mul3A_36 : f32 to vector<128x2048xf32>
    %mul3A_38 = arith.mulf %add3A_32, %mul3A_37 : vector<128x2048xf32>
    %erf3A_39 = math.erf %mul3A_38 : vector<128x2048xf32>
    %add3A_40 = arith.constant 1.000000e+00 : f32
    %add3A_41 = vector.broadcast %add3A_40 : f32 to vector<128x2048xf32>
    %add3A_42 = arith.addf %add3A_41, %erf3A_39 : vector<128x2048xf32>
    %mul3A_43 = arith.mulf %mul3A_35, %add3A_42 : vector<128x2048xf32>
    %get3A_44 = arith.constant 0 : index
    %get3A_45 = arith.constant 0 : index
    %get3A_46 = arith.constant 0 : index
    %get3A_47 = vector.load %arg7[%get3A_44, %get3A_45, %get3A_46] : memref<1x1x128xf32, #tpu.memory_space<vmem>>, vector<1x1x128xf32>
    %reduce_sum3A = arith.constant dense<0.000000e+00> : vector<128xf32>
    %reduce_sum3A_48 = vector.multi_reduction <add>, %mul3A_43, %reduce_sum3A [1] : vector<128x2048xf32> to vector<128xf32>
    %broadcast_in_dim3A = vector.shape_cast %reduce_sum3A_48 : vector<128xf32> to vector<1x1x128xf32>
    %add3A_49 = arith.addf %get3A_47, %broadcast_in_dim3A : vector<1x1x128xf32>
    %swap3A = arith.constant 0 : index
    %swap3A_50 = arith.constant 0 : index
    %swap3A_51 = arith.constant 0 : index
    %swap3A_52 = vector.load %arg7[%swap3A, %swap3A_50, %swap3A_51] : memref<1x1x128xf32, #tpu.memory_space<vmem>>, vector<1x1x128xf32>
    tpu.vector_store %arg7[%swap3A, %swap3A_50, %swap3A_51], %add3A_49 {strides = array<i32>} : memref<1x1x128xf32, #tpu.memory_space<vmem>>, vector<1x1x128xf32>,
    return
  }
  func.func @transform_0(%arg0: i32, %arg1: i32) -> (i32, i32, i32) {
    %c0_i32 = arith.constant 0 : i32
    %c0_i32_0 = arith.constant 0 : i32
    return %arg0, %c0_i32, %arg1 : i32, i32, i32
  }
  func.func @transform_1(%arg0: i32, %arg1: i32) -> (i32, i32) {
    %c0_i32 = arith.constant 0 : i32
    %c0_i32_0 = arith.constant 0 : i32
    %c0_i32_1 = arith.constant 0 : i32
    return %c0_i32, %c0_i32_0 : i32, i32
  }
  func.func @transform_2(%arg0: i32, %arg1: i32) -> (i32, i32) {
    %c0_i32 = arith.constant 0 : i32
    %c0_i32_0 = arith.constant 0 : i32
    %c0_i32_1 = arith.constant 0 : i32
    return %c0_i32, %c0_i32_0 : i32, i32
  }
  func.func @transform_3(%arg0: i32, %arg1: i32) -> (i32, i32) {
    %c0_i32 = arith.constant 0 : i32
    %c0_i32_0 = arith.constant 0 : i32
    %c0_i32_1 = arith.constant 0 : i32
    return %c0_i32, %c0_i32_0 : i32, i32
  }
  func.func @transform_4(%arg0: i32, %arg1: i32) -> (i32, i32) {
    %c0_i32 = arith.constant 0 : i32
    %c0_i32_0 = arith.constant 0 : i32
    %c0_i32_1 = arith.constant 0 : i32
    return %c0_i32, %c0_i32_0 : i32, i32
  }
  func.func @transform_5(%arg0: i32, %arg1: i32) -> (i32, i32, i32) {
    %c0_i32 = arith.constant 0 : i32
    %c0_i32_0 = arith.constant 0 : i32
    %c0_i32_1 = arith.constant 0 : i32
    return %arg0, %c0_i32, %c0_i32_0 : i32, i32, i32
  }
}

module attributes {stable_mosaic.version = 14 : i64} {
  func.func @body(%arg0: i32, %arg1: memref<1x256x16xf32, #tpu.memory_space<vmem>>, %arg2: memref<1x1x128xf32, #tpu.memory_space<vmem>>, %arg3: memref<3x64xf32, #tpu.memory_space<vmem>>, %arg4: memref<1x64xf32, #tpu.memory_space<vmem>>, %arg5: memref<64x128xf32, #tpu.memory_space<vmem>>, %arg6: memref<1x128xf32, #tpu.memory_space<vmem>>, %arg7: memref<128x128xf32, #tpu.memory_space<vmem>>, %arg8: memref<128x128xf32, #tpu.memory_space<vmem>>, %arg9: memref<1x128xf32, #tpu.memory_space<vmem>>, %arg10: memref<128x128xf32, #tpu.memory_space<vmem>>, %arg11: memref<1x128xf32, #tpu.memory_space<vmem>>, %arg12: memref<1x128xf32, #tpu.memory_space<vmem>>, %arg13: memref<1x128xf32, #tpu.memory_space<vmem>>, %arg14: memref<1x256x128xf32, #tpu.memory_space<vmem>>) attributes {dimension_semantics = [#tpu.dimension_semantics<arbitrary>], iteration_bounds = array<i64: 16>, scalar_prefetch = 0 : i64, scratch_operands = 0 : i64, tpu.core_type = #tpu.core_type<tc>, window_params = [{transform_indices = @transform_0, window_bounds = array<i64: 1, 256, 16>}, {transform_indices = @transform_1, window_bounds = array<i64: 1, 1, 128>}, {pipeline_mode = #tpu.pipeline_mode<synchronous>, transform_indices = @transform_2, window_bounds = array<i64: 3, 64>}, {pipeline_mode = #tpu.pipeline_mode<synchronous>, transform_indices = @transform_3, window_bounds = array<i64: 1, 64>}, {pipeline_mode = #tpu.pipeline_mode<synchronous>, transform_indices = @transform_4, window_bounds = array<i64: 64, 128>}, {pipeline_mode = #tpu.pipeline_mode<synchronous>, transform_indices = @transform_5, window_bounds = array<i64: 1, 128>}, {pipeline_mode = #tpu.pipeline_mode<synchronous>, transform_indices = @transform_6, window_bounds = array<i64: 128, 128>}, {pipeline_mode = #tpu.pipeline_mode<synchronous>, transform_indices = @transform_7, window_bounds = array<i64: 128, 128>}, {pipeline_mode = #tpu.pipeline_mode<synchronous>, transform_indices = @transform_8, window_bounds = array<i64: 1, 128>}, {pipeline_mode = #tpu.pipeline_mode<synchronous>, transform_indices = @transform_9, window_bounds = array<i64: 128, 128>}, {pipeline_mode = #tpu.pipeline_mode<synchronous>, transform_indices = @transform_10, window_bounds = array<i64: 1, 128>}, {pipeline_mode = #tpu.pipeline_mode<synchronous>, transform_indices = @transform_11, window_bounds = array<i64: 1, 128>}, {pipeline_mode = #tpu.pipeline_mode<synchronous>, transform_indices = @transform_12, window_bounds = array<i64: 1, 128>}, {transform_indices = @transform_13, window_bounds = array<i64: 1, 256, 128>}]} {
    %get3A = arith.constant 0 : index
    %get3A_0 = arith.constant 0 : index
    %get3A_1 = arith.constant 0 : index
    %get3A_2 = vector.load %arg1[%get3A, %get3A_0, %get3A_1] : memref<1x256x16xf32, #tpu.memory_space<vmem>>, vector<1x256x16xf32>
    %get3A_3 = vector.shape_cast %get3A_2 : vector<1x256x16xf32> to vector<256x16xf32>
    %slice3A = vector.extract_strided_slice %get3A_3 {offsets = [0, 1], sizes = [256, 3], strides = [1, 1]} : vector<256x16xf32> to vector<256x3xf32>
    %get3A_4 = arith.constant 0 : index
    %get3A_5 = arith.constant 0 : index
    %get3A_6 = arith.constant 0 : index
    %get3A_7 = vector.load %arg2[%get3A_4, %get3A_5, %get3A_6] : memref<1x1x128xf32, #tpu.memory_space<vmem>>, vector<1x1x128xf32>
    %get3A_8 = vector.shape_cast %get3A_7 : vector<1x1x128xf32> to vector<1x128xf32>
    %get3A_9 = arith.constant 0 : index
    %get3A_10 = arith.constant 0 : index
    %get3A_11 = vector.load %arg3[%get3A_9, %get3A_10] : memref<3x64xf32, #tpu.memory_space<vmem>>, vector<3x64xf32>
    %dot_general3A = arith.constant dense<0.000000e+00> : vector<256x64xf32>
    %dot_general3A_12 = tpu.matmul %slice3A, %get3A_11, %dot_general3A {dimension_numbers = #tpu.dot_dimension_numbers<[1], [0], [0], [1], [0, 0, 1, 1], [], []>, transpose_lhs_hint = false} : vector<256x3xf32>, vector<3x64xf32>, vector<256x64xf32> -> vector<256x64xf32>
    %get3A_13 = arith.constant 0 : index
    %get3A_14 = arith.constant 0 : index
    %get3A_15 = vector.load %arg4[%get3A_13, %get3A_14] : memref<1x64xf32, #tpu.memory_space<vmem>>, vector<1x64xf32>
    %add3A = vector.broadcast %get3A_15 : vector<1x64xf32> to vector<256x64xf32>
    %add3A_16 = arith.addf %dot_general3A_12, %add3A : vector<256x64xf32>
    %mul3A = arith.constant 5.000000e-01 : f32
    %mul3A_17 = vector.broadcast %mul3A : f32 to vector<256x64xf32>
    %mul3A_18 = arith.mulf %add3A_16, %mul3A_17 : vector<256x64xf32>
    %mul3A_19 = arith.constant 0.707106769 : f32
    %mul3A_20 = vector.broadcast %mul3A_19 : f32 to vector<256x64xf32>
    %mul3A_21 = arith.mulf %add3A_16, %mul3A_20 : vector<256x64xf32>
    %erf3A = math.erf %mul3A_21 : vector<256x64xf32>
    %add3A_22 = arith.constant 1.000000e+00 : f32
    %add3A_23 = vector.broadcast %add3A_22 : f32 to vector<256x64xf32>
    %add3A_24 = arith.addf %add3A_23, %erf3A : vector<256x64xf32>
    %mul3A_25 = arith.mulf %mul3A_18, %add3A_24 : vector<256x64xf32>
    %get3A_26 = arith.constant 0 : index
    %get3A_27 = arith.constant 0 : index
    %get3A_28 = vector.load %arg5[%get3A_26, %get3A_27] : memref<64x128xf32, #tpu.memory_space<vmem>>, vector<64x128xf32>
    %dot_general3A_29 = arith.constant dense<0.000000e+00> : vector<256x128xf32>
    %dot_general3A_30 = tpu.matmul %mul3A_25, %get3A_28, %dot_general3A_29 {dimension_numbers = #tpu.dot_dimension_numbers<[1], [0], [0], [1], [0, 0, 1, 1], [], []>, transpose_lhs_hint = false} : vector<256x64xf32>, vector<64x128xf32>, vector<256x128xf32> -> vector<256x128xf32>
    %get3A_31 = arith.constant 0 : index
    %get3A_32 = arith.constant 0 : index
    %get3A_33 = vector.load %arg6[%get3A_31, %get3A_32] : memref<1x128xf32, #tpu.memory_space<vmem>>, vector<1x128xf32>
    %add3A_34 = vector.broadcast %get3A_33 : vector<1x128xf32> to vector<256x128xf32>
    %add3A_35 = arith.addf %dot_general3A_30, %add3A_34 : vector<256x128xf32>
    %mul3A_36 = arith.constant 5.000000e-01 : f32
    %mul3A_37 = vector.broadcast %mul3A_36 : f32 to vector<256x128xf32>
    %mul3A_38 = arith.mulf %add3A_35, %mul3A_37 : vector<256x128xf32>
    %mul3A_39 = arith.constant 0.707106769 : f32
    %mul3A_40 = vector.broadcast %mul3A_39 : f32 to vector<256x128xf32>
    %mul3A_41 = arith.mulf %add3A_35, %mul3A_40 : vector<256x128xf32>
    %erf3A_42 = math.erf %mul3A_41 : vector<256x128xf32>
    %add3A_43 = arith.constant 1.000000e+00 : f32
    %add3A_44 = vector.broadcast %add3A_43 : f32 to vector<256x128xf32>
    %add3A_45 = arith.addf %add3A_44, %erf3A_42 : vector<256x128xf32>
    %mul3A_46 = arith.mulf %mul3A_38, %add3A_45 : vector<256x128xf32>
    %mul3A_47 = arith.constant 6.10351563E-5 : f32
    %mul3A_48 = vector.broadcast %mul3A_47 : f32 to vector<1x128xf32>
    %mul3A_49 = arith.mulf %get3A_8, %mul3A_48 : vector<1x128xf32>
    %get3A_50 = arith.constant 0 : index
    %get3A_51 = arith.constant 0 : index
    %get3A_52 = vector.load %arg8[%get3A_50, %get3A_51] : memref<128x128xf32, #tpu.memory_space<vmem>>, vector<128x128xf32>
    %dot_general3A_53 = arith.constant dense<0.000000e+00> : vector<1x128xf32>
    %dot_general3A_54 = tpu.matmul %mul3A_49, %get3A_52, %dot_general3A_53 {dimension_numbers = #tpu.dot_dimension_numbers<[1], [0], [0], [1], [0, 0, 1, 1], [], []>, transpose_lhs_hint = false} : vector<1x128xf32>, vector<128x128xf32>, vector<1x128xf32> -> vector<1x128xf32>
    %get3A_55 = arith.constant 0 : index
    %get3A_56 = arith.constant 0 : index
    %get3A_57 = vector.load %arg7[%get3A_55, %get3A_56] : memref<128x128xf32, #tpu.memory_space<vmem>>, vector<128x128xf32>
    %dot_general3A_58 = arith.constant dense<0.000000e+00> : vector<256x128xf32>
    %dot_general3A_59 = tpu.matmul %mul3A_46, %get3A_57, %dot_general3A_58 {dimension_numbers = #tpu.dot_dimension_numbers<[1], [0], [0], [1], [0, 0, 1, 1], [], []>, transpose_lhs_hint = false} : vector<256x128xf32>, vector<128x128xf32>, vector<256x128xf32> -> vector<256x128xf32>
    %add3A_60 = vector.broadcast %dot_general3A_54 : vector<1x128xf32> to vector<256x128xf32>
    %add3A_61 = arith.addf %dot_general3A_59, %add3A_60 : vector<256x128xf32>
    %get3A_62 = arith.constant 0 : index
    %get3A_63 = arith.constant 0 : index
    %get3A_64 = vector.load %arg9[%get3A_62, %get3A_63] : memref<1x128xf32, #tpu.memory_space<vmem>>, vector<1x128xf32>
    %add3A_65 = vector.broadcast %get3A_64 : vector<1x128xf32> to vector<256x128xf32>
    %add3A_66 = arith.addf %add3A_61, %add3A_65 : vector<256x128xf32>
    %mul3A_67 = arith.constant 5.000000e-01 : f32
    %mul3A_68 = vector.broadcast %mul3A_67 : f32 to vector<256x128xf32>
    %mul3A_69 = arith.mulf %add3A_66, %mul3A_68 : vector<256x128xf32>
    %mul3A_70 = arith.constant 0.707106769 : f32
    %mul3A_71 = vector.broadcast %mul3A_70 : f32 to vector<256x128xf32>
    %mul3A_72 = arith.mulf %add3A_66, %mul3A_71 : vector<256x128xf32>
    %erf3A_73 = math.erf %mul3A_72 : vector<256x128xf32>
    %add3A_74 = arith.constant 1.000000e+00 : f32
    %add3A_75 = vector.broadcast %add3A_74 : f32 to vector<256x128xf32>
    %add3A_76 = arith.addf %add3A_75, %erf3A_73 : vector<256x128xf32>
    %mul3A_77 = arith.mulf %mul3A_69, %add3A_76 : vector<256x128xf32>
    %get3A_78 = arith.constant 0 : index
    %get3A_79 = arith.constant 0 : index
    %get3A_80 = vector.load %arg10[%get3A_78, %get3A_79] : memref<128x128xf32, #tpu.memory_space<vmem>>, vector<128x128xf32>
    %dot_general3A_81 = arith.constant dense<0.000000e+00> : vector<256x128xf32>
    %dot_general3A_82 = tpu.matmul %mul3A_77, %get3A_80, %dot_general3A_81 {dimension_numbers = #tpu.dot_dimension_numbers<[1], [0], [0], [1], [0, 0, 1, 1], [], []>, transpose_lhs_hint = false} : vector<256x128xf32>, vector<128x128xf32>, vector<256x128xf32> -> vector<256x128xf32>
    %get3A_83 = arith.constant 0 : index
    %get3A_84 = arith.constant 0 : index
    %get3A_85 = vector.load %arg11[%get3A_83, %get3A_84] : memref<1x128xf32, #tpu.memory_space<vmem>>, vector<1x128xf32>
    %add3A_86 = vector.broadcast %get3A_85 : vector<1x128xf32> to vector<256x128xf32>
    %add3A_87 = arith.addf %dot_general3A_82, %add3A_86 : vector<256x128xf32>
    %reduce_sum3A = arith.constant dense<0.000000e+00> : vector<256xf32>
    %reduce_sum3A_88 = vector.multi_reduction <add>, %add3A_87, %reduce_sum3A [1] : vector<256x128xf32> to vector<256xf32>
    %broadcast_in_dim3A = vector.shape_cast %reduce_sum3A_88 : vector<256xf32> to vector<256x1xf32>
    %div3A = arith.constant 1.280000e+02 : f32
    %div3A_89 = vector.broadcast %div3A : f32 to vector<256x1xf32>
    %div3A_90 = arith.divf %broadcast_in_dim3A, %div3A_89 : vector<256x1xf32>
    %sub3A = vector.broadcast %div3A_90 : vector<256x1xf32> to vector<256x128xf32>
    %sub3A_91 = arith.subf %add3A_87, %sub3A : vector<256x128xf32>
    %mul3A_92 = arith.mulf %sub3A_91, %sub3A_91 : vector<256x128xf32>
    %reduce_sum3A_93 = arith.constant dense<0.000000e+00> : vector<256xf32>
    %reduce_sum3A_94 = vector.multi_reduction <add>, %mul3A_92, %reduce_sum3A_93 [1] : vector<256x128xf32> to vector<256xf32>
    %broadcast_in_dim3A_95 = vector.shape_cast %reduce_sum3A_94 : vector<256xf32> to vector<256x1xf32>
    %div3A_96 = arith.constant 1.280000e+02 : f32
    %div3A_97 = vector.broadcast %div3A_96 : f32 to vector<256x1xf32>
    %div3A_98 = arith.divf %broadcast_in_dim3A_95, %div3A_97 : vector<256x1xf32>
    %add3A_99 = arith.constant 9.99999974E-6 : f32
    %add3A_100 = vector.broadcast %add3A_99 : f32 to vector<256x1xf32>
    %add3A_101 = arith.addf %div3A_98, %add3A_100 : vector<256x1xf32>
    %sqrt3A = math.sqrt %add3A_101 : vector<256x1xf32>
    %div3A_102 = vector.broadcast %sqrt3A : vector<256x1xf32> to vector<256x128xf32>
    %div3A_103 = arith.divf %sub3A_91, %div3A_102 : vector<256x128xf32>
    %get3A_104 = arith.constant 0 : index
    %get3A_105 = arith.constant 0 : index
    %get3A_106 = vector.load %arg12[%get3A_104, %get3A_105] : memref<1x128xf32, #tpu.memory_space<vmem>>, vector<1x128xf32>
    %mul3A_107 = vector.broadcast %get3A_106 : vector<1x128xf32> to vector<256x128xf32>
    %mul3A_108 = arith.mulf %div3A_103, %mul3A_107 : vector<256x128xf32>
    %get3A_109 = arith.constant 0 : index
    %get3A_110 = arith.constant 0 : index
    %get3A_111 = vector.load %arg13[%get3A_109, %get3A_110] : memref<1x128xf32, #tpu.memory_space<vmem>>, vector<1x128xf32>
    %add3A_112 = vector.broadcast %get3A_111 : vector<1x128xf32> to vector<256x128xf32>
    %add3A_113 = arith.addf %mul3A_108, %add3A_112 : vector<256x128xf32>
    %swap3A = arith.constant 0 : index
    %swap3A_114 = arith.constant 0 : index
    %swap3A_115 = arith.constant 0 : index
    %swap3A_116 = vector.load %arg14[%swap3A, %swap3A_114, %swap3A_115] : memref<1x256x128xf32, #tpu.memory_space<vmem>>, vector<1x256x128xf32>
    %swap3A_117 = vector.shape_cast %swap3A_116 : vector<1x256x128xf32> to vector<256x128xf32>
    %swap3A_118 = vector.shape_cast %add3A_113 : vector<256x128xf32> to vector<1x256x128xf32>
    tpu.vector_store %arg14[%swap3A, %swap3A_114, %swap3A_115], %swap3A_118 {strides = array<i32>} : memref<1x256x128xf32, #tpu.memory_space<vmem>>, vector<1x256x128xf32>,
    return
  }
  func.func @transform_0(%arg0: i32) -> (i32, i32, i32) {
    %c0_i32 = arith.constant 0 : i32
    %c0_i32_0 = arith.constant 0 : i32
    %c0_i32_1 = arith.constant 0 : i32
    return %arg0, %c0_i32, %c0_i32_0 : i32, i32, i32
  }
  func.func @transform_1(%arg0: i32) -> (i32, i32, i32) {
    %c0_i32 = arith.constant 0 : i32
    %c0_i32_0 = arith.constant 0 : i32
    %c0_i32_1 = arith.constant 0 : i32
    return %arg0, %c0_i32, %c0_i32_0 : i32, i32, i32
  }
  func.func @transform_2(%arg0: i32) -> (i32, i32) {
    %c0_i32 = arith.constant 0 : i32
    %c0_i32_0 = arith.constant 0 : i32
    %c0_i32_1 = arith.constant 0 : i32
    return %c0_i32, %c0_i32_0 : i32, i32
  }
  func.func @transform_3(%arg0: i32) -> (i32, i32) {
    %c0_i32 = arith.constant 0 : i32
    %c0_i32_0 = arith.constant 0 : i32
    %c0_i32_1 = arith.constant 0 : i32
    return %c0_i32, %c0_i32_0 : i32, i32
  }
  func.func @transform_4(%arg0: i32) -> (i32, i32) {
    %c0_i32 = arith.constant 0 : i32
    %c0_i32_0 = arith.constant 0 : i32
    %c0_i32_1 = arith.constant 0 : i32
    return %c0_i32, %c0_i32_0 : i32, i32
  }
  func.func @transform_5(%arg0: i32) -> (i32, i32) {
    %c0_i32 = arith.constant 0 : i32
    %c0_i32_0 = arith.constant 0 : i32
    %c0_i32_1 = arith.constant 0 : i32
    return %c0_i32, %c0_i32_0 : i32, i32
  }
  func.func @transform_6(%arg0: i32) -> (i32, i32) {
    %c0_i32 = arith.constant 0 : i32
    %c0_i32_0 = arith.constant 0 : i32
    %c0_i32_1 = arith.constant 0 : i32
    return %c0_i32, %c0_i32_0 : i32, i32
  }
  func.func @transform_7(%arg0: i32) -> (i32, i32) {
    %c0_i32 = arith.constant 0 : i32
    %c0_i32_0 = arith.constant 0 : i32
    %c0_i32_1 = arith.constant 0 : i32
    return %c0_i32, %c0_i32_0 : i32, i32
  }
  func.func @transform_8(%arg0: i32) -> (i32, i32) {
    %c0_i32 = arith.constant 0 : i32
    %c0_i32_0 = arith.constant 0 : i32
    %c0_i32_1 = arith.constant 0 : i32
    return %c0_i32, %c0_i32_0 : i32, i32
  }
  func.func @transform_9(%arg0: i32) -> (i32, i32) {
    %c0_i32 = arith.constant 0 : i32
    %c0_i32_0 = arith.constant 0 : i32
    %c0_i32_1 = arith.constant 0 : i32
    return %c0_i32, %c0_i32_0 : i32, i32
  }
  func.func @transform_10(%arg0: i32) -> (i32, i32) {
    %c0_i32 = arith.constant 0 : i32
    %c0_i32_0 = arith.constant 0 : i32
    %c0_i32_1 = arith.constant 0 : i32
    return %c0_i32, %c0_i32_0 : i32, i32
  }
  func.func @transform_11(%arg0: i32) -> (i32, i32) {
    %c0_i32 = arith.constant 0 : i32
    %c0_i32_0 = arith.constant 0 : i32
    %c0_i32_1 = arith.constant 0 : i32
    return %c0_i32, %c0_i32_0 : i32, i32
  }
  func.func @transform_12(%arg0: i32) -> (i32, i32) {
    %c0_i32 = arith.constant 0 : i32
    %c0_i32_0 = arith.constant 0 : i32
    %c0_i32_1 = arith.constant 0 : i32
    return %c0_i32, %c0_i32_0 : i32, i32
  }
  func.func @transform_13(%arg0: i32) -> (i32, i32, i32) {
    %c0_i32 = arith.constant 0 : i32
    %c0_i32_0 = arith.constant 0 : i32
    %c0_i32_1 = arith.constant 0 : i32
    return %arg0, %c0_i32, %c0_i32_0 : i32, i32, i32
  }
}

</mosaic_0001>

<sc_bundles>
// kernel: kernel.5.cloned.1.call-start
scs
__scs_entry_jumppad:
0x0: {  	(pc) =	sbr.rel $0x88, $3  }
0x1: {  	(tag) =	ssettag $0x0;
	lr =	simm.s32 $0x1  }
0x2: {  	[smem:$0x3F96] =	sst lr;
	_ =	strace $0xD0000000  }
0x3: {  	_ = 	snop  }
0x4: {  	_ = 	snop  }
0x5: {  	_ = 	snop  }
0x6: {  	_ = 	snop  }
0x7: {  	_ = 	snop  }
__scs_overlays_trampoline_lowered:
0x8: {  	[smem:$0x3FA5] =	sst s0  }
0x9: {  	[smem:$0x3FA6] =	sst s1  }
0xa: {  	[smem:$0x3FA7] =	sst s2  }
0xb: {  	[smem:$0x3FA8] =	sst s3  }
0xc: {  	[smem:$0x3FA9] =	sst s4  }
0xd: {  	[smem:$0x3FAA] =	sst s5  }
0xe: {  	[smem:$0x3FAB] =	sst s6  }
0xf: {  	[smem:$0x3FAC] =	sst s7  }
0x10: {  	[smem:$0x3FAD] =	sst s8  }
0x11: {  	[smem:$0x3FAE] =	sst s9;
	s0 =	simm.s32 @!p0 $0x0  }
0x12: {  	s1 =	sld [smem:$0x3F94];
	s0 =	simm.s32 @p0 $0x1  }
0x13: {  	[smem:$0x3FAF] =	sst s0;
	s0 =	simm.s32 @!p1 $0x0  }
0x14: {  	s2 =	sld [smem:$0x3F93];
	s0 =	simm.s32 @p1 $0x1  }
0x15: {  	[smem:$0x3FB0] =	sst s0;
	s0 =	simm.s32 @!p2 $0x0  }
0x16: {  	s3 =	sld [smem:$0x3FDB];
	s0 =	simm.s32 @p2 $0x1  }
0x17: {  	s4 =	simm.s32 $0x1BF5;
	[smem:$0x3FB2] =	sst s0  }
0x18: {  	s0 =	sld [smem:$0x3F95];
	_ =	swait.ge [sflag:s4], $0x0  }
0x19: {  	s7 =	sld [smem:$0x3F96]  }
0x1a: {  	s8 =	sadd.s32 $0xFFFFE003, lr  }
0x1b: {  	s9 =	sadd.s32 $0xFFFFFEF7, lr;
	s5 =	simm.s32 $0xFFFFFFFF;
	p2 =	slt.u32 s8, $0xFFFFF086  }
0x1c: {  	p1 =	slt.u32 s9, $0xF7A;
	s5 =	simm.s32 @!p2 $0x0  }
0x1d: {  	s5 =	simm.s32 @p1 $0x1;
	p0 =	seq.s32 s7, s2  }
0x1e: {  	s7 =	smul.u32 @!p0 $0xF7A, s2;
	p2 =	seq.s32 @!p0 s5, $0x0  }
0x1f: {  	s9 =	smul.u32 $0xF7A, s1;
	s8 =	simm.s32 @!p0 $0x1BF5;
	p2 =	por !p2, p0  }
0x20: {  	[sflag:s8] =	ssyncset.s32 @!p0 $0xFFFFF086;
	s6 =	sadd.s32 @!p0 s3, s7;
	s7 =	simm.s32 @!p0 $0x108  }
0x21: {  	s3 =	sadd.s32 s3, s9;
	s6 =	sadd.s32 @!p0 $0x88, s6;
	s7 =	simm.s32 @p2 $0x1082  }
0x22: {  	[simem:s7], [sflag:s8] =	dma.local @!p0 [hbm:s6], $0xF7A  }
0x23: {  	s9 =	sor.u32 $0xD0000000, s2;
	s6 =	simm.s32 $0x108;
	_ =	swait.ge @!p0 [sflag:s8], $0x0  }
0x24: {  	s3 =	sadd.s32 $0x88, s3;
	s6 =	simm.s32 @!p1 $0x1082;
	[sflag:s4] =	ssyncset.s32 $0xFFFFF086  }
0x25: {  	[simem:s6], [sflag:s4] =	dma.local [hbm:s3], $0xF7A  }
0x26: {  	[smem:$0x3F96] =	sst s1;
	(tag) =	ssettag s2;
	_ =	strace s9  }
0x27: {  	s1 =	sld [smem:$0x3FA6]  }
0x28: {  	s2 =	sld [smem:$0x3FA7]  }
0x29: {  	s4 =	sld [smem:$0x3FA9]  }
0x2a: {  	p0 =	seq.s32 s5, $0x0;
	s5 =	sld [smem:$0x3FAA]  }
0x2b: {  	s6 =	sld [smem:$0x3FAB]  }
0x2c: {  	s7 =	sld [smem:$0x3FAC]  }
0x2d: {  	s3 =	simm.s32 $0x108;
	s8 =	sld [smem:$0x3FAD]  }
0x2e: {  	s3 =	simm.s32 @!p0 $0x1082;
	s9 =	sld [smem:$0x3FAE]  }
0x2f: {  	lr =	sadd.s32 s0, s3;
	s0 =	sld [smem:$0x3FA5]  }
0x30: {  	s3 =	sld [smem:$0x3FA8]  }
0x31: {  	[smem:$0x3FB1] =	sst s10  }
0x32: {  	s10 =	sld [smem:$0x3FAF];
	_ =	sdelay $0x3  }
0x33: {  	p0 =	seq.s32 s10, $0x1;
	s10 =	sld [smem:$0x3FB1];
	_ =	sdelay $0x3  }
0x34: {  	[smem:$0x3FB1] =	sst s10  }
0x35: {  	s10 =	sld [smem:$0x3FB0];
	_ =	sdelay $0x3  }
0x36: {  	p1 =	seq.s32 s10, $0x1;
	s10 =	sld [smem:$0x3FB1];
	_ =	sdelay $0x3  }
0x37: {  	[smem:$0x3FB1] =	sst s10  }
0x38: {  	s10 =	sld [smem:$0x3FB2]  }
0x39: {  	_ = 	snop;
	(pc) =	sbr.ind lr, $3  }
0x3a: {  	_ = 	snop  }
0x3b: {  	_ = 	snop  }
0x3c: {  	p2 =	seq.s32 s10, $0x1;
	s10 =	sld [smem:$0x3FB1]  }
0x3d: {  	_ =	shalt  }
0x3e: {  	_ =	shalt  }
0x3f: {  	_ =	shalt  }
0x40: {  	_ =	shalt  }
0x41: {  	_ =	shalt  }
0x42: {  	_ =	shalt  }
0x43: {  	_ =	shalt  }
0x44: {  	_ =	shalt  }
0x45: {  	_ =	shalt  }
0x46: {  	_ =	shalt  }
0x47: {  	_ =	shalt  }
0x48: {  	_ =	shalt  }
0x49: {  	_ =	shalt  }
0x4a: {  	_ =	shalt  }
0x4b: {  	_ =	shalt  }
0x4c: {  	_ =	shalt  }
0x4d: {  	_ =	shalt  }
0x4e: {  	_ =	shalt  }
0x4f: {  	_ =	shalt  }
0x50: {  	_ =	shalt  }
0x51: {  	_ =	shalt  }
0x52: {  	_ =	shalt  }
0x53: {  	_ =	shalt  }
0x54: {  	_ =	shalt  }
0x55: {  	_ =	shalt  }
0x56: {  	_ =	shalt  }
0x57: {  	_ =	shalt  }
0x58: {  	_ =	shalt  }
0x59: {  	_ =	shalt  }
0x5a: {  	_ =	shalt  }
0x5b: {  	_ =	shalt  }
0x5c: {  	_ =	shalt  }
0x5d: {  	_ =	shalt  }
0x5e: {  	_ =	shalt  }
0x5f: {  	_ =	shalt  }
0x60: {  	_ =	shalt  }
0x61: {  	_ =	shalt  }
0x62: {  	_ =	shalt  }
0x63: {  	_ =	shalt  }
0x64: {  	_ =	shalt  }
0x65: {  	_ =	shalt  }
0x66: {  	_ =	shalt  }
0x67: {  	_ =	shalt  }
0x68: {  	_ =	shalt  }
0x69: {  	_ =	shalt  }
0x6a: {  	_ =	shalt  }
0x6b: {  	_ =	shalt  }
0x6c: {  	_ =	shalt  }
0x6d: {  	_ =	shalt  }
0x6e: {  	_ =	shalt  }
0x6f: {  	_ =	shalt  }
0x70: {  	_ =	shalt  }
0x71: {  	_ =	shalt  }
0x72: {  	_ =	shalt  }
0x73: {  	_ =	shalt  }
0x74: {  	_ =	shalt  }
0x75: {  	_ =	shalt  }
0x76: {  	_ =	shalt  }
0x77: {  	_ =	shalt  }
0x78: {  	_ =	shalt  }
0x79: {  	_ =	shalt  }
0x7a: {  	_ =	shalt  }
0x7b: {  	_ =	shalt  }
0x7c: {  	_ =	shalt  }
0x7d: {  	_ =	shalt  }
0x7e: {  	_ =	shalt  }
0x7f: {  	_ =	shalt  }
0x80: {  	_ =	shalt  }
0x81: {  	_ =	shalt  }
0x82: {  	_ =	shalt  }
0x83: {  	_ =	shalt  }
0x84: {  	_ =	shalt  }
0x85: {  	_ =	shalt  }
0x86: {  	_ =	shalt  }
0x87: {  	_ =	shalt  }
.Lfunc_end0:
.L_simem_size_0:
called_computation_lowered:
.L_overlay_start_0:
0x88: {  	s2 =	sld [smem:$0x3FD9]  }
0x89: {  	s3 =	sld [smem:$0x3FFE];
	_ =	sdelay $0x1  }
0x8a: {  	s1 =	srdreg.scid  }
0x8b: {  	s0 =	sand.u32 $0x1, s1  }
0x8c: {  	s17 =	sshll.u32 s0, $0xA;
	s2 =	sadd.s32 s3, s2  }
0x8d: {  	s2 =	sadd.s32 s2, s17  }
0x8e: {  	[smem:$0x3FBD] =	sst s2  }
0x8f: {  	_ = 	snop  }
0x90: {  	s2 =	sld [smem:$0x3FD0];
	(tm) =	ssettm $0x1  }
0x91: {  	s18 =	sld [smem:$0x3FFB];
	_ =	sdelay $0x3  }
0x92: {  	_ =	strace s18  }
0x93: {  	s3 =	sld [smem:$0x3FFC];
	_ =	sdelay $0x3  }
0x94: {  	_ =	strace s3  }
0x95: {  	s3 =	sld [smem:$0x3FFD];
	_ =	sdelay $0x3  }
0x96: {  	_ =	strace s3  }
0x97: {  	_ =	strace $0x8FFFFFFF  }
0x98: {  	s19 =	sld [smem:$0x3FDB];
	_ =	sdelay $0x1  }
0x99: {  	s4 =	simm.s32 $_scs_section_size  }
0x9a: {  	s5 =	simm.s32 $_size__tile_overlayer_lowered;
	s6 =	simm.s32 $_tile_overlayer_lowered  }
0x9b: {  	s22 =	simm.s32 $0x1BFF;
	s21 =	sshll.u32 s6, $0x1;
	s3 =	sadd.s32 s4, s19  }
0x9c: {  	s7 =	simm.s32 $0x0;
	s20 =	sshll.u32 s5, $0x1;
	s5 =	sadd.s32 s21, s3  }
0x9d: {  	[timem:s7], [sflag:s22] =	dma.local [hbm:s5], s20  }
0x9e: {  	_ =	swait.ge [sflag:s22], s20  }
0x9f: {  	s4 =	ssub.s32 $0x0, s20;
	[sflag:s22] =	ssyncset.done $0x0  }
0xa0: {  	[sflag:s22] =	ssyncadd.s32 s4;
	_ =	sdelay $0x1  }
0xa1: {  	s23 =	simm.s32 $0x1B8B  }
0xa2: {  	_ =	swait.ge [sflag:s23], $0x1  }
0xa3: {  	[sflag:s23] =	ssyncset.done $0x0  }
0xa4: {  	s25 =	simm.s32 $0x1B8E;
	s24 =	sld [smem:$0x3FFE];
	[sflag:s23] =	ssyncadd.s32 $0xFFFFFFFF  }
0xa5: {  	s26 =	simm.s32 $execute0_lowered;
	[smem:$0x3FD2] =	sst s25  }
0xa6: {  	s5 =	sshll.u32 s26, $0x1;
	_ =	strace $0x80000046;
	[dreg:$0x1] =	wrdreg $0xFFFFFFFF  }
0xa7: {  	s28 =	simm.s32 $_size_execute0_lowered;
	s3 =	sadd.s32 s3, s5;
	[dreg:$0x0] =	wrdreg $0x0  }
0xa8: {  	s5 =	sshll.u32 s28, $0x1;
	[dreg:$0x2] =	wrdreg s3  }
0xa9: {  	[dreg:$0x3] =	wrdreg s5  }
0xaa: {  	[dreg:$0x4] =	wrdreg $0xC0  }
0xab: {  	_ =	task [dreg:s7], $0x5FFFF  }
0xac: {  	[dreg:$0x1] =	wrdreg $0xFFFFFFFF  }
0xad: {  	[dreg:$0x0] =	wrdreg $0x60  }
0xae: {  	[dreg:$0x2] =	wrdreg s24  }
0xaf: {  	[dreg:$0x3] =	wrdreg s2  }
0xb0: {  	[dreg:$0x4] =	wrdreg $0x91000  }
0xb1: {  	[dreg:$0x5] =	wrdreg $0x9  }
0xb2: {  	_ =	task.clear_ibuf [dreg:s7], $0x6FFFF;
	_ =	strace $0x90000046  }
0xb3: {  	s29 =	simm.s32 $0x9;
	_ =	strace $0x80000048  }
0xb4: {  	_ =	swait.ge [sflag:s29], $0x1  }
0xb5: {  	[sflag:s29] =	ssyncadd.s32 $0xFFFFFFFF  }
0xb6: {  	_ =	strace $0x90000048  }
0xb7: {  	_ =	sfence  }
0xb8: {  	s30 =	sld [smem:$0x0];
	_ =	sdelay $0x2  }
0xb9: {  	s31 =	sshll.u32 s1, $0xD;
	s1 =	sshrl.u32 s1, $0x2  }
0xba: {  	s3 =	sand.u32 $0x4000, s31;
	s1 =	sadd.s32 s1, s30  }
0xbb: {  	s0 =	sor.u32 s3, s0;
	s1 =	sshll.u32 s1, $0x11  }
0xbc: {  	s0 =	sor.u32 s1, s0  }
0xbd: {  	s0 =	sadd.s32 $0x8F2B, s0  }
0xbe: {  	[sflag:s0] =	ssyncadd.remote.s32 $0x1  }
0xbf: {  	_ =	sfence.sel $0xFFFF  }
0xc0: {  	[dreg:$0x0] =	wrdreg $0xFFFFFFFF;
	(pc) =	sbr.abs _section_cstart, $3  }
0xc1: {  	[dreg:$0x1] =	wrdreg $0xFFFFFFFF  }
0xc2: {  	_ =	task.clear_ibuf [dreg:s7], $0x2FFFF;
	_ =	strace $0x9FFFFFFF  }
0xc3: {  	(tm) =	ssettm $0x7FFFFFFF  }
tec
execute0_lowered:
.L_overlay_start_1:
0x0: {  	(tag) =	ssettag $0x1  }
0x1: {  	s0 =	rddreg [dreg:$0x0]  }
0x2: {  	s1 =	srdreg.scid;
	s2 =	rddreg [dreg:$0x1]  }
0x3: {  	s8 =	stileid.u32;
	s9 =	rddreg [dreg:$0x2]  }
0x4: {  	s6 =	simm.s32 $0x0;
	s1 =	sand.u32 $0x1, s1;
	s4 =	sshrl.u32 s8, $0x1  }
0x5: {  	s21 =	sand.u32 $0x1, s8;
	[smem:$0x7FF] =	sst s6;
	s0 =	sadd.s32 $0x1A00, s0  }
0x6: {  	s25 =	sshll.u32 s8, $0x4;
	s3 =	sshll.u32 s1, $0x3;
	s10 =	sshll.u32 s21, $0xD  }
0x7: {  	_ =	strace $0x80000047;
	s8 =	sxor.u32 $0x10, s25;
	[dreg:$0xb] =	wrdreg s25  }
0x8: {  	s1 =	ssub.s32 $0x2, s1;
	s3 =	sor.u32 s4, s3;
	[dreg:$0xc] =	wrdreg s8  }
0x9: {  	s22 =	sshrl.u32 s1, $0x1;
	s28 =	sadd.s32 s8, s9;
	[dreg:$0x4] =	wrdreg s10  }
0xa: {  	s5 =	smul.u32 $0xC000, s3;
	s1 =	ssub.s32 s1, s22;
	s29 =	sadd.s32 $0x100, s28  }
0xb: {  	p0 =	seq.s32 s21, $0x0;
	[dreg:$0xf] =	wrdreg s29;
	s31 =	smax.u32 s1, $0x1  }
0xc: {  	s26 =	sadd.s32 s25, s9;
	s5 =	sor.u32 s10, s5;
	[dreg:$0x11] =	wrdreg s31  }
0xd: {  	s7 =	sadd.s32 $0x4000, s5;
	s23 =	sshrl.u32 s5, $0x3;
	s5 =	sadd.s32 $0x8000, s5  }
0xe: {  	s7 =	sshrl.u32 s7, $0x3;
	s6 =	sadd.s32 s0, s23;
	s5 =	sshrl.u32 s5, $0x3  }
0xf: {  	[dreg:$0x9] =	wrdreg s6;
	s24 =	sadd.s32 s0, s7;
	s6 =	simm.f32 $+Inf  }
0x10: {  	s0 =	sadd.s32 s0, s5;
	[dreg:$0xa] =	wrdreg s24;
	s6 =	simm.s32 @!p0 $0xFF800000  }
0x11: {  	v2 =	vimm.f32 $+Inf;
	v3 =	vimm.s32 $0x0;
	s30 =	sshll.u32 s3, $0x9;
	[dreg:$0xd] =	wrdreg s0;
	s0 =	sadd.s32 $0x100, s26;
	v0 =	vmov s6  }
0x12: {  	vm0 =	vcmask $0x314;
	vm1 =	vcmask $0x714;
	[dreg:$0xe] =	wrdreg s0;
	s0 =	sadd.s32 s2, s30;
	[tilespmem:$0x1FFE0] =	vst v0;
	v0 =	vmov s10  }
0x13: {  	vm2 =	vcmask $0xB14;
	vm3 =	vcmask $0xF14;
	v8 =	vlaneseq.u32;
	p0 =	sne.s32 s21, $0x0;
	s2 =	simm.s32 $0x0;
	[dreg:$0x10] =	wrdreg s0;
	[tilespmem:$0x1FFF0] =	vst v0  }
.LBB2_1:
0x14: {  	[dreg:$0x12] =	wrdreg s2  }
0x15: {  	s0 =	simm.s32 $0x0;
	s1 =	rddreg [dreg:$0x9];
	s28 =	simm.s32 $0x1  }
0x16: {  	[tilespmem:s0], [sflag:$0x1] =	stream.linear.gather [hbm4b:s1+s0], $0x2000, $0x38;
	[tilespmem:$0x9120] =	vst v63  }
0x17: {  	_ =	swait.ge [sflag:s28], $0x2000  }
0x18: {  	[sflag:s28] =	ssyncset.done $0x0  }
0x19: {  	s3 =	simm.s32 $0x2000;
	s29 =	rddreg [dreg:$0xa];
	[sflag:s28] =	ssyncadd.s32 $0xFFFFE000  }
0x1a: {  	[tilespmem:s3], [sflag:$0x1] =	stream.linear.gather [hbm4b:s29+s0], $0x2000, $0x38;
	[tilespmem:$0x9120] =	vst v63  }
0x1b: {  	_ =	swait.ge [sflag:s28], $0x2000  }
0x1c: {  	[sflag:s28] =	ssyncset.done $0x0  }
0x1d: {  	s31 =	simm.s32 $0x4000;
	s30 =	rddreg [dreg:$0xd];
	[sflag:s28] =	ssyncadd.s32 $0xFFFFE000  }
0x1e: {  	[tilespmem:s31], [sflag:$0x1] =	stream.linear.gather [hbm4b:s30+s0], $0x2000, $0x38;
	[tilespmem:$0x9120] =	vst v63  }
0x1f: {  	_ =	swait.ge [sflag:s28], $0x2000  }
0x20: {  	[sflag:s28] =	ssyncset.done $0x0  }
0x21: {  	s1 =	simm.s32 $0x0;
	s0 =	simm.s32 $0x40;
	[sflag:s28] =	ssyncadd.s32 $0xFFFFE000  }
.LBB2_2:
0x22: {  	p1 =	sne.s32 s0, $0x7FC0;
	[tilespmem:s1+$0x6000] =	vst v2;
	s1 =	smov.u32 s0;
	s0 =	sadd.s32 $0x40, s0  }
.Ltmp0:
0x23: {  	(pc) =	sbr.rel @p1 .LBB2_2-.Ltmp0, $2  }
0x24: {  	_ =	sdelay $0x2  }
0x25: {  	s1 =	sshra.s32 s1, $0x2  }
0x26: {  	[tilespmem:s1+$0x6000] =	vst v2;
	v0 =	vld [tilespmem:$0x1FFE0]  }
0x27: {  	v9 =	vld [tilespmem:$0x0]  }
0x28: {  	v10 =	vld [tilespmem:$0x2000]  }
0x29: {  	v11 =	vld [tilespmem:$0x4000];
	_ =	sdelay $0x2  }
0x2a: {  	v1 =	vld [tilespmem:$0x1FFF0];
	v9 =	vperm.xlane v9, v3  }
0x2b: {  	v10 =	vperm.xlane v10, v3  }
0x2c: {  	v11 =	vperm.xlane v11, v3;
	v9 =	vsel vm0, v0, v9  }
0x2d: {  	v9 =	vsel vm1, v9, v10  }
0x2e: {  	v9 =	vsel vm2, v9, v11  }
0x2f: {  	v9 =	vsel vm3, v9, v1  }
0x30: {  	s0 =	rddreg [dreg:$0xe];
	s29 =	simm.s32 $0x9000;
	s30 =	simm.s32 $0x1;
	[tilespmem:$0x9000] =	vst v9  }
0x31: {  	[spmem:s0] =	stream.linear.scatter [tilespmem:s29], [sflag:$0x1], $0x10, $0x38;
	[tilespmem:$0x9120] =	vst v63  }
0x32: {  	_ =	swait.ge [sflag:s30], $0x10  }
0x33: {  	[sflag:s30] =	ssyncset.done $0x0  }
0x34: {  	[sflag:s30] =	ssyncadd.s32 $0xFFFFFFF0  }
0x35: {  	[bflag:$0x0] =	sbarrier.arrive $0xFFFF  }
0x36: {  	s2 =	simm.s32 $0x9080;
	s31 =	rddreg [dreg:$0xf]  }
0x37: {  	[tilespmem:s2], [sflag:$0x1] =	stream.linear.gather [spmem:s31], $0x10, $0x38;
	[tilespmem:$0x9120] =	vst v63  }
0x38: {  	_ =	swait.ge [sflag:s30], $0x10  }
0x39: {  	[sflag:s30] =	ssyncset.done $0x0  }
0x3a: {  	[sflag:s30] =	ssyncadd.s32 $0xFFFFFFF0  }
0x3b: {  	v10 =	vld [tilespmem:$0x9080];
	_ =	sdelay $0x3  }
0x3c: {  	v4 =	vimm.s32 $0x4  }
0x3d: {  	v11 =	vperm.xlane v10, v3;
	v12 =	vperm.xlane v10, v4;
	_ =	sdelay $0x1  }
0x3e: {  	vm4 =	veq.f32 v11, v0;
	vm5 =	vgt.s32 v1, v12  }
0x3f: {  	vm6 =	vgt.f32 v11, v0;
	vm4 =	vmand vm4, vm5  }
0x40: {  	vm4 =	vmor vm6, vm4  }
0x41: {  	v0 =	vimm.s32 $0x1;
	v12 =	vsel vm4, v10, v9  }
0x42: {  	v10 =	vperm.xlane v12, v0;
	v0 =	vimm.s32 $0x2  }
0x43: {  	v11 =	vperm.xlane v12, v0;
	v0 =	vimm.s32 $0x3  }
0x44: {  	s3 =	simm.s32 $0x0;
	v9 =	vperm.xlane v12, v0  }
.LBB2_4:
0x45: {  	s0 =	sshll.u32 @!p0 s3, $0x4  }
0x46: {  	s0 =	sand.u32 @!p0 $0x3FFFFFF0, s0  }
0x47: {  	[dreg:$0x13] =	wrdreg s3;
	s12 =	simm.s32 $0x40;
	[tilespmem:s0+$0x8000] =	vst @!p0 v12  }
0x48: {  	s9 =	simm.s32 $0x2040;
	v12 =	vld [tilespmem:s12+$0xFFFFFFC0]  }
0x49: {  	v13 =	vld [tilespmem:s9+$0xFFFFFFC0]  }
0x4a: {  	s26 =	simm.s32 $0x4040  }
0x4b: {  	v14 =	vld [tilespmem:s26+$0xFFFFFFC0];
	_ =	sdelay $0x2  }
0x4c: {  	v12 =	vsub.f32 v12, v10;
	v13 =	vsub.f32 v13, v11;
	_ =	sdelay $0x1  }
0x4d: {  	s6 =	simm.s32 $0x6040;
	v14 =	vsub.f32 v14, v9;
	v12 =	vmul.f32 v12, v12;
	v13 =	vmul.f32 v13, v13  }
0x4e: {  	v15 =	vld [tilespmem:s6+$0xFFFFFFC0]  }
0x4f: {  	v12 =	vadd.f32 v13, v12;
	v13 =	vmul.f32 v14, v14;
	_ =	sdelay $0x1  }
0x50: {  	v12 =	vadd.f32 v13, v12;
	_ =	sdelay $0x1  }
0x51: {  	v14 =	vmin.f32 v15, v12  }
0x52: {  	[tilespmem:s6+$0xFFFFFFC0] =	vst v14  }
0x53: {  	v12 =	vld [tilespmem:s9+$0xFFFFFFD0]  }
0x54: {  	v13 =	vld [tilespmem:s12+$0xFFFFFFD0];
	_ =	sdelay $0x1  }
0x55: {  	v15 =	vld [tilespmem:s26+$0xFFFFFFD0]  }
0x56: {  	s3 =	simm.s32 $0xC0  }
0x57: {  	s31 =	simm.s32 $0x20C0;
	v16 =	vld [tilespmem:s3+$0xFFFFFFC0]  }
0x58: {  	v17 =	vld [tilespmem:s31+$0xFFFFFFC0];
	v13 =	vsub.f32 v13, v10;
	v12 =	vsub.f32 v12, v11  }
0x59: {  	s25 =	simm.s32 $0x40C0  }
0x5a: {  	v18 =	vld [tilespmem:s25+$0xFFFFFFC0];
	v15 =	vsub.f32 v15, v9;
	v13 =	vmul.f32 v13, v13;
	v12 =	vmul.f32 v12, v12  }
0x5b: {  	v19 =	vld [tilespmem:s6+$0xFFFFFFD0]  }
0x5c: {  	v15 =	vmul.f32 v15, v15;
	v12 =	vadd.f32 v12, v13  }
0x5d: {  	v13 =	vsub.f32 v16, v10;
	v16 =	vsub.f32 v17, v11  }
0x5e: {  	v12 =	vadd.f32 v15, v12  }
0x5f: {  	s30 =	simm.s32 $0x60C0;
	v13 =	vmul.f32 v13, v13;
	v15 =	vsub.f32 v18, v9;
	v16 =	vmul.f32 v16, v16  }
0x60: {  	v17 =	vld [tilespmem:s30+$0xFFFFFFC0];
	v18 =	vmin.f32 v19, v12  }
0x61: {  	v12 =	vadd.f32 v16, v13;
	v13 =	vmul.f32 v15, v15;
	[tilespmem:s6+$0xFFFFFFD0] =	vst v18  }
0x62: {  	v15 =	vld [tilespmem:s12+$0xFFFFFFE0]  }
0x63: {  	v12 =	vadd.f32 v13, v12;
	v13 =	vld [tilespmem:s9+$0xFFFFFFE0]  }
0x64: {  	s14 =	simm.s32 $0x140  }
0x65: {  	v20 =	vld [tilespmem:s14+$0xFFFFFFC0];
	v16 =	vmin.f32 v17, v12  }
0x66: {  	v12 =	vld [tilespmem:s26+$0xFFFFFFE0];
	[tilespmem:s30+$0xFFFFFFC0] =	vst v16  }
0x67: {  	v17 =	vld [tilespmem:s31+$0xFFFFFFD0]  }
0x68: {  	s29 =	simm.s32 $0x2140;
	v19 =	vld [tilespmem:s3+$0xFFFFFFD0];
	v15 =	vsub.f32 v15, v10;
	v13 =	vsub.f32 v13, v11  }
0x69: {  	v21 =	vld [tilespmem:s29+$0xFFFFFFC0]  }
0x6a: {  	s15 =	simm.s32 $0x4140;
	v22 =	vld [tilespmem:s25+$0xFFFFFFD0];
	v15 =	vmul.f32 v15, v15;
	v13 =	vmul.f32 v13, v13  }
0x6b: {  	v23 =	vld [tilespmem:s15+$0xFFFFFFC0]  }
0x6c: {  	v12 =	vsub.f32 v12, v9;
	v13 =	vadd.f32 v13, v15  }
0x6d: {  	v15 =	vsub.f32 v19, v10;
	v17 =	vsub.f32 v17, v11  }
0x6e: {  	v12 =	vmul.f32 v12, v12;
	v19 =	vsub.f32 v20, v10;
	v20 =	vsub.f32 v21, v11  }
0x6f: {  	v21 =	vld [tilespmem:s6+$0xFFFFFFE0];
	v22 =	vsub.f32 v22, v9;
	v15 =	vmul.f32 v15, v15;
	v17 =	vmul.f32 v17, v17  }
0x70: {  	s16 =	simm.s32 $0x6140;
	v24 =	vld [tilespmem:s30+$0xFFFFFFD0];
	v23 =	vsub.f32 v23, v9;
	v19 =	vmul.f32 v19, v19;
	v20 =	vmul.f32 v20, v20  }
0x71: {  	v22 =	vmul.f32 v22, v22;
	v15 =	vadd.f32 v17, v15;
	v17 =	vld [tilespmem:s16+$0xFFFFFFC0]  }
0x72: {  	v12 =	vadd.f32 v12, v13;
	v13 =	vadd.f32 v20, v19;
	v19 =	vmul.f32 v23, v23  }
0x73: {  	v15 =	vadd.f32 v22, v15  }
0x74: {  	v20 =	vmin.f32 v21, v12;
	v12 =	vadd.f32 v19, v13  }
0x75: {  	[tilespmem:s6+$0xFFFFFFE0] =	vst v20;
	v15 =	vmin.f32 v24, v15  }
0x76: {  	v19 =	vld [tilespmem:s9+$0xFFFFFFF0];
	[tilespmem:s30+$0xFFFFFFD0] =	vst v15;
	v17 =	vmin.f32 v17, v12  }
0x77: {  	v27 =	vld [tilespmem:s12+$0xFFFFFFF0];
	[tilespmem:s16+$0xFFFFFFC0] =	vst v17  }
0x78: {  	v12 =	vimm.f32 $-Inf;
	s18 =	rddreg [dreg:$0x4];
	v22 =	vld [tilespmem:s29+$0xFFFFFFD0]  }
0x79: {  	v13 =	vimm.s32 $0x0;
	vm4 =	vgt.f32 v14, v12;
	vm5 =	vgt.f32 v18, v12;
	v23 =	vld [tilespmem:s14+$0xFFFFFFD0];
	s7 =	sadd.s32 $0x0, s18  }
0x7a: {  	v21 =	vld [tilespmem:s25+$0xFFFFFFE0];
	v14 =	vsel vm4, v14, v12;
	v18 =	vsel vm5, v18, v12;
	s1 =	sadd.s32 $0x10, s7;
	v24 =	vor.u32 s7, v8  }
0x7b: {  	v26 =	vld [tilespmem:s15+$0xFFFFFFD0];
	v19 =	vsub.f32 v19, v11;
	v25 =	vor.u32 s1, v8;
	v24 =	vsel vm4, v24, v13  }
0x7c: {  	v29 =	vld [tilespmem:s3+$0xFFFFFFE0];
	s13 =	sadd.s32 $0x80, s18;
	vm4 =	vgt.f32 v16, v14;
	v25 =	vsel vm5, v25, v13;
	vm5 =	vgt.f32 v20, v12  }
0x7d: {  	v30 =	vld [tilespmem:s26+$0xFFFFFFF0];
	v14 =	vsel vm4, v16, v14;
	v16 =	vsel vm5, v20, v12;
	v20 =	vor.u32 s13, v8  }
0x7e: {  	s23 =	simm.s32 $0x1C0;
	v23 =	vsub.f32 v23, v10;
	v22 =	vsub.f32 v22, v11;
	v20 =	vsel vm4, v20, v24;
	v24 =	vld [tilespmem:s31+$0xFFFFFFE0]  }
0x7f: {  	v32 =	vld [tilespmem:s23+$0xFFFFFFC0];
	v27 =	vsub.f32 v27, v10;
	v19 =	vmul.f32 v19, v19  }
0x80: {  	s20 =	simm.s32 $0x21C0;
	v31 =	vld [tilespmem:s16+$0xFFFFFFD0];
	v26 =	vsub.f32 v26, v9;
	v23 =	vmul.f32 v23, v23;
	v22 =	vmul.f32 v22, v22  }
0x81: {  	v33 =	vld [tilespmem:s20+$0xFFFFFFC0];
	s1 =	simm.s32 $0x41C0;
	v27 =	vmul.f32 v27, v27;
	v29 =	vsub.f32 v29, v10;
	v21 =	vsub.f32 v21, v9  }
0x82: {  	v26 =	vmul.f32 v26, v26;
	v22 =	vadd.f32 v22, v23;
	v23 =	vsub.f32 v30, v9;
	v30 =	vld [tilespmem:s1+$0xFFFFFFC0]  }
0x83: {  	v34 =	vld [tilespmem:s6+$0xFFFFFFF0];
	v19 =	vadd.f32 v19, v27;
	v24 =	vsub.f32 v24, v11  }
0x84: {  	v27 =	vsub.f32 v32, v10;
	v22 =	vadd.f32 v26, v22;
	v23 =	vmul.f32 v23, v23  }
0x85: {  	vm4 =	vgt.f32 v15, v18;
	v26 =	vmul.f32 v29, v29;
	v24 =	vmul.f32 v24, v24  }
0x86: {  	v29 =	vld [tilespmem:s30+$0xFFFFFFE0];
	v22 =	vmin.f32 v31, v22;
	v19 =	vadd.f32 v23, v19;
	v23 =	vsub.f32 v33, v11  }
0x87: {  	v21 =	vmul.f32 v21, v21;
	[tilespmem:s16+$0xFFFFFFD0] =	vst v22;
	v30 =	vsub.f32 v30, v9;
	v24 =	vadd.f32 v24, v26  }
0x88: {  	s10 =	simm.s32 $0x61C0;
	s2 =	sadd.s32 $0x10, s13;
	v26 =	vmul.f32 v27, v27;
	v27 =	vld [tilespmem:s14+$0xFFFFFFE0];
	v19 =	vmin.f32 v34, v19;
	v23 =	vmul.f32 v23, v23  }
0x89: {  	v15 =	vsel vm4, v15, v18;
	v31 =	vor.u32 s2, v8;
	[tilespmem:s6+$0xFFFFFFF0] =	vst v19;
	v18 =	vadd.f32 v21, v24;
	v21 =	vld [tilespmem:s10+$0xFFFFFFC0]  }
0x8a: {  	v24 =	vsel vm4, v31, v25;
	v23 =	vadd.f32 v23, v26;
	v25 =	vmul.f32 v30, v30;
	v26 =	vld [tilespmem:s12+$0x0]  }
0x8b: {  	s17 =	sadd.s32 $0x100, s18;
	v18 =	vmin.f32 v29, v18;
	v29 =	vld [tilespmem:s9+$0x0]  }
0x8c: {  	s22 =	sadd.s32 $0x20, s7;
	v48 =	vld [tilespmem:s29+$0xFFFFFFE0];
	vm4 =	vgt.f32 v17, v14;
	v31 =	vor.u32 s17, v8;
	v23 =	vadd.f32 v25, v23  }
0x8d: {  	v28 =	vor.u32 s22, v8;
	v14 =	vsel vm4, v17, v14;
	v17 =	vsel vm4, v31, v20;
	v20 =	vld [tilespmem:s26+$0x0]  }
0x8e: {  	s4 =	sadd.s32 $0x10, s17;
	v28 =	vsel vm5, v28, v13;
	v25 =	vld [tilespmem:s15+$0xFFFFFFE0];
	vm5 =	vgt.f32 v18, v16;
	[tilespmem:s30+$0xFFFFFFE0] =	vst v18;
	v21 =	vmin.f32 v21, v23  }
0x8f: {  	vm4 =	vgt.f32 v22, v15;
	v16 =	vsel vm5, v18, v16;
	v18 =	vor.u32 s4, v8;
	[tilespmem:s10+$0xFFFFFFC0] =	vst v21  }
0x90: {  	v24 =	vsel vm4, v18, v24;
	v18 =	vsub.f32 v26, v10;
	v26 =	vsub.f32 v29, v11;
	v29 =	vld [tilespmem:s23+$0xFFFFFFD0]  }
0x91: {  	s19 =	simm.s32 $0x240;
	v27 =	vsub.f32 v27, v10;
	v31 =	vsub.f32 v48, v11;
	v49 =	vld [tilespmem:s20+$0xFFFFFFD0]  }
0x92: {  	v54 =	vld [tilespmem:s19+$0xFFFFFFC0];
	v20 =	vsub.f32 v20, v9;
	v18 =	vmul.f32 v18, v18;
	v26 =	vmul.f32 v26, v26  }
0x93: {  	v27 =	vmul.f32 v27, v27;
	v31 =	vmul.f32 v31, v31;
	v50 =	vld [tilespmem:s1+$0xFFFFFFD0];
	v25 =	vsub.f32 v25, v9  }
0x94: {  	v51 =	vld [tilespmem:s6+$0x0];
	v20 =	vmul.f32 v20, v20;
	v18 =	vadd.f32 v26, v18  }
0x95: {  	s21 =	sadd.s32 $0x20, s17;
	v23 =	vld [tilespmem:s31+$0xFFFFFFF0];
	v25 =	vmul.f32 v25, v25;
	v26 =	vadd.f32 v31, v27;
	v27 =	vsub.f32 v29, v10  }
0x96: {  	s24 =	sadd.s32 $0x20, s13;
	v35 =	vor.u32 s21, v8;
	v29 =	vld [tilespmem:s3+$0xFFFFFFF0];
	v18 =	vadd.f32 v20, v18;
	v20 =	vsub.f32 v49, v11  }
0x97: {  	v34 =	vsub.f32 v54, v10;
	v30 =	vor.u32 s24, v8;
	v31 =	vld [tilespmem:s25+$0xFFFFFFF0];
	v25 =	vadd.f32 v25, v26  }
0x98: {  	v36 =	vld [tilespmem:s16+$0xFFFFFFE0];
	s5 =	sadd.s32 $0x30, s7;
	v26 =	vsub.f32 v50, v9;
	v27 =	vmul.f32 v27, v27;
	v20 =	vmul.f32 v20, v20  }
0x99: {  	v22 =	vsel vm4, v22, v15;
	v28 =	vsel vm5, v30, v28;
	v30 =	vor.u32 s5, v8  }
0x9a: {  	vm4 =	vgt.f32 v19, v12;
	v26 =	vmul.f32 v26, v26;
	v20 =	vadd.f32 v20, v27  }
0x9b: {  	s28 =	simm.s32 $0x2240;
	v53 =	vld [tilespmem:s10+$0xFFFFFFD0];
	v19 =	vsel vm4, v19, v12;
	v23 =	vsub.f32 v23, v11;
	v29 =	vsub.f32 v29, v10  }
0x9c: {  	v30 =	vsel vm4, v30, v13;
	v20 =	vadd.f32 v26, v20;
	v26 =	vsub.f32 v31, v9;
	v31 =	vld [tilespmem:s28+$0xFFFFFFC0]  }
0x9d: {  	s11 =	simm.s32 $0x4240;
	v52 =	vld [tilespmem:s30+$0xFFFFFFF0];
	vm4 =	vgt.f32 v21, v14;
	v18 =	vmin.f32 v51, v18;
	v25 =	vmin.f32 v36, v25  }
0x9e: {  	v37 =	vld [tilespmem:s11+$0xFFFFFFC0];
	s22 =	sadd.s32 $0x180, s18;
	v23 =	vmul.f32 v23, v23;
	[tilespmem:s6+$0x0] =	vst v18;
	vm5 =	vgt.f32 v25, v16;
	v29 =	vmul.f32 v29, v29  }
0x9f: {  	v14 =	vsel vm4, v21, v14;
	v27 =	vld [tilespmem:s12+$0x10];
	v21 =	vsel vm5, v25, v16;
	v16 =	vor.u32 s22, v8  }
0xa0: {  	v55 =	vld [tilespmem:s9+$0x10];
	v20 =	vmin.f32 v53, v20;
	v26 =	vmul.f32 v26, v26;
	v23 =	vadd.f32 v23, v29  }
0xa1: {  	v16 =	vsel vm4, v16, v17;
	v17 =	vsel vm5, v35, v28;
	v29 =	vld [tilespmem:s26+$0x10];
	[tilespmem:s10+$0xFFFFFFD0] =	vst v20;
	v28 =	vsub.f32 v31, v11  }
0xa2: {  	s8 =	simm.s32 $0x1C0;
	v23 =	vadd.f32 v26, v23;
	v26 =	vld [tilespmem:s20+$0xFFFFFFE0]  }
0xa3: {  	s0 =	simm.s32 $0x6240;
	v58 =	vsub.f32 v37, v9;
	v56 =	vld [tilespmem:s8+$0xFFFFFFE0];
	v31 =	vmul.f32 v34, v34;
	v28 =	vmul.f32 v28, v28  }
0xa4: {  	v61 =	vld [tilespmem:s0+$0xFFFFFFC0];
	vm4 =	vgt.f32 v20, v22;
	v27 =	vsub.f32 v27, v10;
	v23 =	vmin.f32 v52, v23  }
0xa5: {  	v59 =	vsub.f32 v55, v11;
	v57 =	vld [tilespmem:s1+$0xFFFFFFE0];
	[tilespmem:s30+$0xFFFFFFF0] =	vst v23;
	v28 =	vadd.f32 v28, v31;
	v31 =	vmul.f32 v58, v58  }
0xa6: {  	v38 =	vsel vm4, v20, v22;
	v27 =	vmul.f32 v27, v27;
	v29 =	vsub.f32 v29, v9;
	v62 =	vld [tilespmem:s3+$0x0]  }
0xa7: {  	s23 =	sadd.s32 $0x10, s22;
	v35 =	vmul.f32 v59, v59;
	v22 =	vsub.f32 v26, v11;
	v26 =	vld [tilespmem:s6+$0x10];
	v28 =	vadd.f32 v31, v28  }
0xa8: {  	v60 =	vor.u32 s23, v8;
	[tilespmem:s16+$0xFFFFFFE0] =	vst v25;
	v20 =	vsub.f32 v56, v10;
	v25 =	vmul.f32 v29, v29;
	v29 =	vld [tilespmem:s31+$0x0]  }
0xa9: {  	v27 =	vadd.f32 v35, v27;
	vm5 =	vgt.f32 v23, v19;
	v51 =	vld [tilespmem:s25+$0x0];
	v28 =	vmin.f32 v61, v28  }
0xaa: {  	v53 =	vld [tilespmem:s10+$0xFFFFFFE0];
	v32 =	vsub.f32 v57, v9;
	v20 =	vmul.f32 v20, v20;
	v22 =	vmul.f32 v22, v22;
	[tilespmem:s0+$0xFFFFFFC0] =	vst v28  }
0xab: {  	s8 =	sadd.s32 $0x30, s13;
	v24 =	vsel vm4, v60, v24;
	v43 =	vsel vm5, v23, v19;
	v31 =	vld [tilespmem:s29+$0xFFFFFFF0];
	v25 =	vadd.f32 v25, v27;
	[dreg:$0x8] =	wrdreg s22  }
0xac: {  	v27 =	vor.u32 s8, v8;
	v32 =	vmul.f32 v32, v32;
	v20 =	vadd.f32 v22, v20;
	v39 =	vld [tilespmem:s19+$0xFFFFFFD0]  }
0xad: {  	v22 =	vsub.f32 v62, v10;
	v40 =	vmin.f32 v26, v25;
	v25 =	vsub.f32 v29, v11;
	v26 =	vld [tilespmem:s11+$0xFFFFFFD0]  }
0xae: {  	v54 =	vsub.f32 v51, v9;
	vm4 =	vgt.f32 v28, v14;
	v20 =	vadd.f32 v32, v20;
	v23 =	vld [tilespmem:s28+$0xFFFFFFD0]  }
0xaf: {  	v34 =	vmul.f32 v22, v22;
	v22 =	vsel vm5, v27, v30;
	[tilespmem:s6+$0x10] =	vst v40;
	v25 =	vmul.f32 v25, v25;
	v27 =	vld [tilespmem:s30+$0x0]  }
0xb0: {  	vm6 =	vgt.f32 v18, v12;
	v19 =	vsel vm4, v28, v14;
	v29 =	vld [tilespmem:s12+$0x20]  }
0xb1: {  	s2 =	sadd.s32 $0x40, s7;
	v55 =	vld [tilespmem:s9+$0x20];
	v37 =	vmin.f32 v53, v20;
	v20 =	vmul.f32 v54, v54;
	v14 =	vadd.f32 v25, v34  }
0xb2: {  	v15 =	vor.u32 s2, v8;
	v18 =	vsel vm6, v18, v12  }
0xb3: {  	v15 =	vsel vm6, v15, v13;
	v28 =	vsub.f32 v31, v11;
	v25 =	vld [tilespmem:s26+$0x20];
	v20 =	vadd.f32 v20, v14  }
0xb4: {  	vm6 =	vgt.f32 v37, v21;
	v30 =	vsub.f32 v39, v10;
	v14 =	vsub.f32 v26, v9  }
0xb5: {  	v31 =	vmul.f32 v28, v28;
	v23 =	vsub.f32 v23, v11;
	v26 =	vsub.f32 v29, v10  }
0xb6: {  	v56 =	vld [tilespmem:s6+$0x20];
	v28 =	vsub.f32 v55, v11;
	v20 =	vmin.f32 v27, v20;
	v29 =	vmul.f32 v30, v30  }
0xb7: {  	v58 =	vld [tilespmem:s16+$0xFFFFFFF0];
	v57 =	vmul.f32 v14, v14;
	v14 =	vsel vm6, v37, v21;
	v21 =	vmul.f32 v23, v23  }
0xb8: {  	v27 =	vld [tilespmem:s0+$0xFFFFFFD0];
	v25 =	vsub.f32 v25, v9;
	v26 =	vmul.f32 v26, v26;
	v28 =	vmul.f32 v28, v28  }
0xb9: {  	v44 =	vld [tilespmem:s14+$0xFFFFFFF0];
	v21 =	vadd.f32 v21, v29  }
0xba: {  	s24 =	sadd.s32 $0x40, s13;
	s23 =	sadd.s32 $0x200, s18;
	v46 =	vld [tilespmem:s15+$0xFFFFFFF0];
	[tilespmem:s30+$0x0] =	vst v20;
	v25 =	vmul.f32 v25, v25;
	v23 =	vadd.f32 v28, v26  }
0xbb: {  	v63 =	vor.u32 s24, v8;
	s24 =	sadd.s32 $0x10, s23;
	v47 =	vld [tilespmem:s3+$0x10];
	[dreg:$0x7] =	wrdreg s13;
	v21 =	vadd.f32 v57, v21  }
0xbc: {  	s5 =	sadd.s32 $0x50, s7;
	s18 =	simm.s32 $0x2C0;
	v45 =	vor.u32 s24, v8;
	v59 =	vld [tilespmem:s25+$0x10];
	v25 =	vadd.f32 v25, v23  }
0xbd: {  	s2 =	sadd.s32 $0x70, s7;
	s7 =	sadd.s32 $0x60, s7;
	v52 =	vor.u32 s5, v8;
	vm5 =	vgt.f32 v40, v12;
	v48 =	vld [tilespmem:s18+$0xFFFFFFC0];
	[dreg:$0x6] =	wrdreg s23;
	v49 =	vmin.f32 v27, v21  }
0xbe: {  	s22 =	sadd.s32 $0x20, s22;
	v32 =	vor.u32 s7, v8;
	s7 =	simm.s32 $0x22C0;
	vm7 =	vgt.f32 v20, v18;
	v34 =	vmin.f32 v56, v25;
	[tilespmem:s0+$0xFFFFFFD0] =	vst v49  }
0xbf: {  	s8 =	sadd.s32 $0x40, s17;
	v41 =	vor.u32 s22, v8;
	s22 =	sadd.s32 $0x20, s23;
	v26 =	vsel vm7, v20, v18;
	v18 =	vor.u32 s23, v8;
	v60 =	vld [tilespmem:s7+$0xFFFFFFC0];
	s23 =	simm.s32 $0x240;
	[tilespmem:s6+$0x20] =	vst v34  }
0xc0: {  	s3 =	smov.u32 s17;
	s17 =	sadd.s32 $0x30, s17;
	v20 =	vsub.f32 v44, v10;
	v25 =	vsel vm4, v18, v16;
	v18 =	vsel vm6, v41, v17;
	v41 =	vld [tilespmem:s12+$0x30];
	[dreg:$0x5] =	wrdreg s23  }
0xc1: {  	v30 =	vor.u32 s2, v8;
	v29 =	vor.u32 s8, v8;
	v42 =	vor.u32 s17, v8;
	s8 =	simm.s32 $0x42C0;
	v61 =	vld [tilespmem:s19+$0xFFFFFFE0]  }
0xc2: {  	s15 =	sadd.s32 $0x50, s13;
	v27 =	vsel vm7, v63, v15;
	v15 =	vsub.f32 v46, v9;
	v16 =	vmul.f32 v20, v20;
	v62 =	vld [tilespmem:s8+$0xFFFFFFC0]  }
0xc3: {  	v28 =	vor.u32 s22, v8;
	v23 =	vor.u32 s15, v8;
	v21 =	vsel vm5, v52, v13;
	v63 =	vld [tilespmem:s11+$0xFFFFFFE0]  }
0xc4: {  	v51 =	vsub.f32 v47, v10;
	v15 =	vmul.f32 v15, v15;
	v31 =	vadd.f32 v31, v16;
	v52 =	vld [tilespmem:s31+$0x10]  }
0xc5: {  	vm4 =	vgt.f32 v49, v38;
	v20 =	vsel vm5, v40, v12;
	v53 =	vsub.f32 v48, v10;
	v54 =	vld [tilespmem:s28+$0xFFFFFFE0]  }
0xc6: {  	v17 =	vsel vm4, v49, v38;
	v56 =	vld [tilespmem:s9+$0x30];
	v15 =	vadd.f32 v15, v31;
	v31 =	vsub.f32 v60, v11  }
0xc7: {  	v16 =	vsel vm4, v45, v24;
	v24 =	vsub.f32 v59, v9;
	v45 =	vmul.f32 v51, v51;
	v57 =	vld [tilespmem:s26+$0x30]  }
0xc8: {  	vm4 =	vgt.f32 v34, v12;
	v55 =	vmul.f32 v53, v53;
	v31 =	vmul.f32 v31, v31  }
0xc9: {  	v39 =	vmin.f32 v58, v15;
	v33 =	vsub.f32 v61, v10;
	v15 =	vsub.f32 v62, v9  }
0xca: {  	s9 =	simm.s32 $0x62C0;
	v35 =	vmul.f32 v24, v24;
	v24 =	vsub.f32 v63, v9;
	v31 =	vadd.f32 v31, v55  }
0xcb: {  	v58 =	vld [tilespmem:s9+$0xFFFFFFC0];
	[tilespmem:s16+$0xFFFFFFF0] =	vst v39;
	vm5 =	vgt.f32 v39, v43;
	v60 =	vsub.f32 v54, v11;
	v46 =	vsub.f32 v52, v11  }
0xcc: {  	v50 =	vld [tilespmem:s14+$0x0];
	v47 =	vsub.f32 v56, v11;
	v63 =	vsub.f32 v57, v9;
	v36 =	vmul.f32 v15, v15  }
0xcd: {  	[tilespmem:s10+$0xFFFFFFE0] =	vst v37;
	v37 =	vld [tilespmem:s0+$0xFFFFFFE0];
	v59 =	vmul.f32 v33, v33;
	v15 =	vsel vm4, v34, v12;
	v40 =	vmul.f32 v24, v24  }
0xce: {  	s21 =	simm.s32 $0x1C0;
	s24 =	simm.s32 $0xC0;
	s5 =	simm.s32 $0x21C0;
	v33 =	vld [tilespmem:s20+$0xFFFFFFF0];
	v34 =	vsub.f32 v41, v10;
	v61 =	vmul.f32 v60, v60;
	v31 =	vadd.f32 v36, v31  }
0xcf: {  	s13 =	simm.s32 $0x2C0;
	s22 =	simm.s32 $0x6040;
	s15 =	simm.s32 $0x61C0;
	v24 =	vsel vm5, v39, v43;
	v39 =	vld [tilespmem:s29+$0x0];
	v62 =	vmul.f32 v46, v46;
	v56 =	vmul.f32 v47, v47  }
0xd0: {  	s6 =	simm.s32 $0x140;
	s12 =	simm.s32 $0x42C0;
	s10 =	simm.s32 $0x4140;
	v43 =	vld [tilespmem:s30+$0x10];
	v55 =	vmul.f32 v63, v63;
	v41 =	vadd.f32 v61, v59;
	v53 =	vmin.f32 v58, v31  }
0xd1: {  	s19 =	simm.s32 $0x22C0;
	s14 =	simm.s32 $0x280;
	s20 =	simm.s32 $0x300;
	v36 =	vld [tilespmem:s10+$0x0];
	v44 =	vadd.f32 v62, v45;
	v38 =	vsub.f32 v50, v10;
	v31 =	vimm.s32 $0x0;
	[tilespmem:s9+$0xFFFFFFC0] =	vst v53  }
.LBB2_5:
0xd2: {  	_ = 	snop  }
0xd3: {  	v34 =	vmul.f32 v34, v34;
	v51 =	vld [tilespmem:s22+$0x30];
	v40 =	vadd.f32 v40, v41  }
0xd4: {  	v52 =	vld [tilespmem:s7+$0xFFFFFFD0];
	v35 =	vadd.f32 v35, v44  }
0xd5: {  	v54 =	vld [tilespmem:s18+$0xFFFFFFD0];
	v34 =	vadd.f32 v56, v34;
	v39 =	vsub.f32 v39, v11;
	v37 =	vmin.f32 v37, v40  }
0xd6: {  	v38 =	vmul.f32 v38, v38;
	v56 =	vld [tilespmem:s8+$0xFFFFFFD0];
	v36 =	vsub.f32 v36, v9;
	[tilespmem:s0+$0xFFFFFFE0] =	vst v37  }
0xd7: {  	v35 =	vmin.f32 v43, v35;
	v34 =	vadd.f32 v55, v34;
	v39 =	vmul.f32 v39, v39;
	v45 =	vld [tilespmem:s28+$0xFFFFFFF0]  }
0xd8: {  	v22 =	vsel vm5, v42, v22;
	vm5 =	vgt.f32 v53, v19;
	v58 =	vsub.f32 v33, v11;
	v57 =	vld [tilespmem:s16+$0x0];
	[tilespmem:s30+$0x10] =	vst v35  }
0xd9: {  	v36 =	vmul.f32 v36, v36;
	v60 =	vmin.f32 v51, v34;
	v59 =	vld [tilespmem:s24+$0x20];
	v38 =	vadd.f32 v39, v38  }
0xda: {  	v13 =	vsel vm4, v32, v13;
	v19 =	vsel vm5, v53, v19;
	v32 =	vmul.f32 v58, v58;
	v62 =	vld [tilespmem:s31+$0x20];
	[tilespmem:s22+$0x30] =	vst v60  }
0xdb: {  	vm6 =	vgt.f32 v37, v14;
	vm4 =	vgt.f32 v35, v20;
	s22 =	smov.u32 s30;
	v63 =	vld [tilespmem:s25+$0x20];
	v36 =	vadd.f32 v36, v38  }
0xdc: {  	v61 =	vsub.f32 v54, v10;
	v14 =	vsel vm6, v37, v14;
	vm7 =	vgt.f32 v60, v12;
	s30 =	smov.u32 s16;
	s16 =	smov.u32 s15;
	v42 =	vld [tilespmem:s22+$0x20]  }
0xdd: {  	v31 =	vsel vm7, v30, v31;
	v30 =	vsub.f32 v52, v11;
	v48 =	vld [tilespmem:s16+$0xFFFFFFF0];
	v36 =	vmin.f32 v57, v36  }
0xde: {  	v18 =	vsel vm6, v28, v18;
	v20 =	vsel vm4, v35, v20;
	v40 =	vsub.f32 v56, v9;
	v52 =	vld [tilespmem:s1+$0xFFFFFFF0];
	[tilespmem:s30+$0x0] =	vst v36  }
0xdf: {  	s17 =	smov.u32 s19;
	v34 =	vmul.f32 v61, v61;
	v12 =	vsel vm7, v60, v12;
	v30 =	vmul.f32 v30, v30;
	v53 =	vld [tilespmem:s9+$0xFFFFFFD0]  }
0xe0: {  	s19 =	smov.u32 s12;
	s12 =	smov.u32 s24;
	s24 =	rddreg [dreg:$0x4];
	v40 =	vmul.f32 v40, v40;
	v43 =	vsub.f32 v59, v10;
	vm7 =	vgt.f32 v36, v26;
	v55 =	vld [tilespmem:s21+$0xFFFFFFF0]  }
0xe1: {  	s24 =	sadd.s32 s14, s24;
	v30 =	vadd.f32 v30, v34;
	v27 =	vsel vm7, v29, v27;
	v29 =	vsub.f32 v62, v11;
	v28 =	vld [tilespmem:s6+$0x10]  }
0xe2: {  	v21 =	vsel vm4, v23, v21;
	v54 =	vor.u32 s24, v8;
	v56 =	vmul.f32 v43, v43;
	v43 =	vld [tilespmem:s29+$0x10]  }
0xe3: {  	s18 =	sadd.s32 $0x80, s18;
	v25 =	vsel vm5, v54, v25;
	v30 =	vadd.f32 v40, v30;
	v59 =	vld [tilespmem:s10+$0x10];
	v29 =	vmul.f32 v29, v29  }
0xe4: {  	s8 =	sadd.s32 $0x80, s8;
	v57 =	vsub.f32 v63, v9;
	v58 =	vsub.f32 v52, v9;
	v26 =	vsel vm7, v36, v26;
	v61 =	vld [tilespmem:s18+$0xFFFFFFC0]  }
0xe5: {  	s2 =	sadd.s32 $0x10, s24;
	v60 =	vld [tilespmem:s8+$0xFFFFFFC0];
	v23 =	vadd.f32 v29, v56;
	v29 =	vmin.f32 v53, v30;
	v34 =	vsub.f32 v55, v10  }
0xe6: {  	v62 =	vor.u32 s2, v8;
	v30 =	vmul.f32 v57, v57;
	vm4 =	vgt.f32 v29, v17  }
0xe7: {  	p1 =	sne.s32 s20, $0x1F80;
	s7 =	sadd.s32 $0x80, s7;
	v28 =	vsub.f32 v28, v10;
	[tilespmem:s9+$0xFFFFFFD0] =	vst v29;
	v17 =	vsel vm4, v29, v17;
	v29 =	vmul.f32 v34, v34  }
0xe8: {  	s4 =	smov.u32 s20;
	s20 =	sadd.s32 $0x80, s20;
	s15 =	smov.u32 s0;
	v50 =	vmul.f32 v58, v58;
	v39 =	vsub.f32 v59, v9;
	v49 =	vld [tilespmem:s7+$0xFFFFFFC0];
	v23 =	vadd.f32 v30, v23  }
0xe9: {  	s0 =	smov.u32 s5;
	s5 =	smov.u32 s3;
	s2 =	rddreg [dreg:$0x7];
	v46 =	vsub.f32 v61, v10;
	v44 =	vmul.f32 v28, v28;
	v28 =	vadd.f32 v32, v29  }
0xea: {  	s3 =	rddreg [dreg:$0x6];
	s14 =	smov.u32 s4;
	s4 =	sadd.s32 $0x70, s2;
	v55 =	vsub.f32 v60, v9;
	v43 =	vsub.f32 v43, v11;
	v63 =	vld [tilespmem:s19+$0xFFFFFFE0];
	v52 =	vmin.f32 v42, v23  }
0xeb: {  	s23 =	smov.u32 s31;
	s26 =	smov.u32 s9;
	v51 =	vld [tilespmem:s13+$0xFFFFFFE0];
	v30 =	vor.u32 s4, v8;
	s4 =	rddreg [dreg:$0x8];
	v35 =	vmul.f32 v39, v39;
	[tilespmem:s22+$0x20] =	vst v52;
	v34 =	vadd.f32 v50, v28  }
0xec: {  	[dreg:$0x7] =	wrdreg s5;
	s31 =	sadd.s32 $0x60, s2;
	v16 =	vsel vm4, v62, v16;
	v46 =	vmul.f32 v46, v46;
	v43 =	vmul.f32 v43, v43;
	s2 =	smov.u32 s4;
	v47 =	vld [tilespmem:s17+$0xFFFFFFE0]  }
0xed: {  	s5 =	sadd.s32 $0x50, s5;
	s9 =	sadd.s32 $0x80, s9;
	v58 =	vmul.f32 v55, v55;
	s4 =	sadd.s32 $0x40, s2;
	v53 =	vld [tilespmem:s12+$0x30];
	v41 =	vsub.f32 v49, v11;
	v48 =	vmin.f32 v48, v34  }
0xee: {  	v32 =	vor.u32 s31, v8;
	s31 =	smov.u32 s3;
	s3 =	smov.u32 s2;
	v23 =	vor.u32 s5, v8;
	s5 =	smov.u32 s24;
	v44 =	vadd.f32 v43, v44;
	v54 =	vld [tilespmem:s23+$0x30];
	[tilespmem:s16+$0xFFFFFFF0] =	vst v48  }
0xef: {  	[dreg:$0x8] =	wrdreg s31;
	s31 =	sadd.s32 $0x30, s2;
	v29 =	vor.u32 s4, v8;
	vm4 =	vgt.f32 v52, v15;
	s4 =	sadd.s32 $0x20, s5;
	v56 =	vmul.f32 v41, v41;
	v57 =	vld [tilespmem:s25+$0x30]  }
0xf0: {  	s24 =	smov.u32 s6;
	[dreg:$0x6] =	wrdreg s5;
	s2 =	smov.u32 s21;
	v42 =	vor.u32 s31, v8;
	v28 =	vor.u32 s4, v8;
	v36 =	vsub.f32 v51, v10;
	v49 =	vld [tilespmem:s9+$0xFFFFFFC0]  }
0xf1: {  	s5 =	smov.u32 s28;
	s28 =	smov.u32 s17;
	s12 =	rddreg [dreg:$0x5];
	v15 =	vsel vm4, v52, v15;
	v40 =	vsub.f32 v63, v9;
	v60 =	vld [tilespmem:s2+$0x0];
	v38 =	vadd.f32 v56, v46  }
.Ltmp1:
0xf2: {  	s31 =	smov.u32 s29;
	s29 =	smov.u32 s0;
	vm5 =	vgt.f32 v48, v24;
	v50 =	vmul.f32 v36, v36;
	v59 =	vsub.f32 v47, v11;
	(pc) =	sbr.rel @p1 .LBB2_5-.Ltmp1, $4  }
0xf3: {  	s23 =	smov.u32 s13;
	s13 =	smov.u32 s18;
	s6 =	smov.u32 s2;
	v40 =	vmul.f32 v40, v40;
	v39 =	vld [tilespmem:s29+$0x0];
	v62 =	vsub.f32 v54, v11;
	v38 =	vadd.f32 v58, v38  }
0xf4: {  	s0 =	smov.u32 s26;
	s21 =	smov.u32 s12;
	[dreg:$0x5] =	wrdreg s23;
	v37 =	vld [tilespmem:s26+$0xFFFFFFE0];
	v24 =	vsel vm5, v48, v24;
	v61 =	vmul.f32 v59, v59;
	v63 =	vsub.f32 v57, v9  }
0xf5: {  	v33 =	vmovc v45;
	s12 =	smov.u32 s8;
	s25 =	smov.u32 s10;
	s10 =	smov.u32 s1;
	v43 =	vld [tilespmem:s30+$0x10];
	v34 =	vsub.f32 v53, v10;
	v56 =	vmul.f32 v62, v62;
	v53 =	vmin.f32 v49, v38  }
0xf6: {  	s1 =	smov.u32 s11;
	s11 =	smov.u32 s19;
	s19 =	smov.u32 s7;
	v36 =	vld [tilespmem:s10+$0x0];
	v41 =	vadd.f32 v61, v50;
	v38 =	vsub.f32 v60, v10;
	[tilespmem:s9+$0xFFFFFFC0] =	vst v53;
	v55 =	vmul.f32 v63, v63  }
0xf7: {  	v45 =	vld [tilespmem:s7+$0xFFFFFFD0]  }
0xf8: {  	v57 =	vld [tilespmem:s18+$0xFFFFFFD0]  }
0xf9: {  	v35 =	vadd.f32 v35, v44  }
0xfa: {  	v58 =	vld [tilespmem:s8+$0xFFFFFFD0]  }
0xfb: {  	v51 =	vld [tilespmem:s21+$0xFFFFFFF0];
	v50 =	vmin.f32 v43, v35  }
0xfc: {  	v48 =	vld [tilespmem:s1+$0xFFFFFFF0];
	v33 =	vsub.f32 v33, v11;
	[tilespmem:s30+$0x10] =	vst v50  }
0xfd: {  	v32 =	vsel vm4, v32, v13;
	v59 =	vld [tilespmem:s24+$0x20];
	v44 =	vsub.f32 v57, v10;
	v45 =	vsub.f32 v45, v11  }
0xfe: {  	v41 =	vadd.f32 v40, v41;
	v39 =	vsub.f32 v39, v11;
	v38 =	vmul.f32 v38, v38;
	v46 =	vld [tilespmem:s31+$0x20]  }
0xff: {  	v47 =	vld [tilespmem:s25+$0x20];
	v35 =	vsub.f32 v58, v9;
	v44 =	vmul.f32 v44, v44;
	v45 =	vmul.f32 v45, v45  }
0x100: {  	v52 =	vld [tilespmem:s9+$0xFFFFFFD0];
	v33 =	vmul.f32 v33, v33;
	v39 =	vmul.f32 v39, v39;
	v62 =	vsub.f32 v51, v10  }
0x101: {  	s2 =	rddreg [dreg:$0x7];
	v63 =	vsub.f32 v48, v9;
	v35 =	vmul.f32 v35, v35;
	v44 =	vadd.f32 v45, v44  }
0x102: {  	vm11 =	vgt.f32 v50, v20;
	s7 =	rddreg [dreg:$0x4];
	v58 =	vsub.f32 v36, v9;
	s8 =	sadd.s32 $0x70, s2;
	v43 =	vsub.f32 v59, v10  }
0x103: {  	s18 =	sadd.s32 s14, s7;
	s14 =	sadd.s32 $0x60, s2;
	v40 =	vor.u32 s8, v8;
	v46 =	vsub.f32 v46, v11;
	v35 =	vadd.f32 v35, v44  }
0x104: {  	v48 =	vor.u32 s14, v8;
	v36 =	vmul.f32 v63, v63;
	v61 =	vsub.f32 v47, v9  }
0x105: {  	s4 =	sadd.s32 $0x10, s18;
	v47 =	vld [tilespmem:s30+$0x20];
	v43 =	vmul.f32 v43, v43;
	v60 =	vmul.f32 v46, v46;
	v52 =	vmin.f32 v52, v35  }
0x106: {  	v49 =	vor.u32 s4, v8;
	v44 =	vmul.f32 v61, v61;
	v46 =	vmul.f32 v62, v62;
	v35 =	vld [tilespmem:s15+$0xFFFFFFF0];
	[tilespmem:s9+$0xFFFFFFD0] =	vst v52  }
0x107: {  	v61 =	vmul.f32 v34, v34;
	v62 =	vmin.f32 v37, v41;
	v37 =	vadd.f32 v39, v38;
	v59 =	vld [tilespmem:s13+$0xFFFFFFE0]  }
0x108: {  	v38 =	vmul.f32 v58, v58;
	v43 =	vadd.f32 v60, v43;
	v33 =	vadd.f32 v33, v46;
	v46 =	vld [tilespmem:s19+$0xFFFFFFE0]  }
0x109: {  	v34 =	vld [tilespmem:s16+$0x0];
	v56 =	vadd.f32 v56, v61;
	v61 =	vsel vm5, v42, v22;
	vm5 =	vgt.f32 v53, v19  }
0x10a: {  	s20 =	sadd.s32 $0x50, s3;
	s2 =	sadd.s32 $0x70, s3;
	v39 =	vadd.f32 v38, v37;
	s14 =	rddreg [dreg:$0x8];
	v60 =	vld [tilespmem:s12+$0xFFFFFFE0];
	v19 =	vsel vm5, v53, v19;
	v33 =	vadd.f32 v36, v33  }
0x10b: {  	v63 =	vld [tilespmem:s22+$0x30];
	s17 =	sadd.s32 $0x40, s14;
	v43 =	vadd.f32 v44, v43;
	v44 =	vor.u32 s20, v8;
	v36 =	vor.u32 s2, v8  }
0x10c: {  	v4 =	vld [tilespmem:s9+$0xFFFFFFE0];
	s23 =	sadd.s32 $0x30, s14;
	v55 =	vadd.f32 v55, v56;
	v45 =	vor.u32 s17, v8;
	v58 =	vmin.f32 v35, v33  }
0x10d: {  	v53 =	vld [tilespmem:s15+$0x0];
	s8 =	sadd.s32 $0x50, s14;
	v54 =	vor.u32 s23, v8;
	[tilespmem:s15+$0xFFFFFFF0] =	vst v58;
	v33 =	vsub.f32 v59, v10;
	v35 =	vsub.f32 v46, v11  }
0x10e: {  	v37 =	vor.u32 s8, v8;
	v1 =	vmin.f32 v34, v39;
	v51 =	vmin.f32 v47, v43;
	v59 =	vld [tilespmem:s21+$0x0]  }
0x10f: {  	s3 =	sadd.s32 $0x60, s3;
	s26 =	sadd.s32 $0x20, s18;
	[tilespmem:s30+$0x20] =	vst v51;
	v46 =	vsub.f32 v60, v9;
	v60 =	vld [tilespmem:s5+$0x0];
	v33 =	vmul.f32 v33, v33;
	v35 =	vmul.f32 v35, v35  }
0x110: {  	v47 =	vor.u32 s26, v8;
	v43 =	vor.u32 s3, v8;
	v13 =	vmin.f32 v63, v55;
	v57 =	vld [tilespmem:s24+$0x30]  }
0x111: {  	s23 =	sadd.s32 $0x60, s14;
	vm6 =	vgt.f32 v1, v26;
	s3 =	rddreg [dreg:$0x6];
	[tilespmem:s0+$0xFFFFFFE0] =	vst v62;
	v5 =	vld [tilespmem:s1+$0x0];
	v0 =	vmul.f32 v46, v46;
	v6 =	vadd.f32 v35, v33  }
0x112: {  	v39 =	vor.u32 s23, v8;
	vm4 =	vgt.f32 v13, v12;
	v27 =	vsel vm6, v29, v27;
	[tilespmem:s16+$0x0] =	vst v1;
	s17 =	sadd.s32 $0x30, s3;
	v7 =	vld [tilespmem:s28+$0xFFFFFFF0]  }
0x113: {  	vm12 =	vgt.f32 v58, v24;
	v56 =	vld [tilespmem:s10+$0x10];
	v46 =	vor.u32 s17, v8;
	s17 =	rddreg [dreg:$0x5];
	v0 =	vadd.f32 v0, v6  }
0x114: {  	v30 =	vsel vm4, v30, v31;
	v22 =	vsub.f32 v59, v10;
	v59 =	vsub.f32 v60, v11;
	v60 =	vld [tilespmem:s17+$0xFFFFFFF0]  }
0x115: {  	v31 =	vsel vm6, v1, v26;
	v24 =	vsel vm12, v58, v24;
	v1 =	vld [tilespmem:s29+$0x10];
	v42 =	vmin.f32 v4, v0  }
0x116: {  	s24 =	sadd.s32 $0x40, s18;
	s4 =	sadd.s32 $0x40, s3;
	v0 =	vsub.f32 v5, v9;
	v4 =	vmul.f32 v22, v22;
	v5 =	vmul.f32 v59, v59;
	v22 =	vld [tilespmem:s11+$0xFFFFFFF0]  }
0x117: {  	v54 =	vsel vm12, v54, v61;
	v34 =	vor.u32 s24, v8;
	v38 =	vor.u32 s4, v8;
	s4 =	sadd.s32 $0x30, s18;
	v6 =	vld [tilespmem:s6+$0x10];
	[tilespmem:s9+$0xFFFFFFE0] =	vst v42  }
0x118: {  	s20 =	sadd.s32 $0x70, s14;
	v41 =	vor.u32 s4, v8;
	v55 =	vld [tilespmem:s19+$0xFFFFFFF0];
	v4 =	vadd.f32 v5, v4;
	v0 =	vmul.f32 v0, v0  }
0x119: {  	s26 =	sadd.s32 $0x50, s3;
	v35 =	vor.u32 s20, v8;
	v5 =	vsub.f32 v7, v11;
	v7 =	vsub.f32 v60, v10;
	v59 =	vld [tilespmem:s13+$0xFFFFFFF0]  }
0x11a: {  	v33 =	vor.u32 s26, v8;
	v1 =	vsub.f32 v1, v11;
	v0 =	vadd.f32 v0, v4  }
0x11b: {  	v26 =	vld [tilespmem:s12+$0xFFFFFFF0];
	v4 =	vmul.f32 v5, v5;
	v7 =	vmul.f32 v7, v7;
	v5 =	vsub.f32 v22, v9  }
0x11c: {  	v1 =	vmul.f32 v1, v1;
	v60 =	vld [tilespmem:s0+$0xFFFFFFF0];
	v6 =	vsub.f32 v6, v10;
	v29 =	vmin.f32 v53, v0  }
0x11d: {  	v0 =	vld [tilespmem:s31+$0x30];
	v53 =	vsub.f32 v56, v9;
	v4 =	vadd.f32 v4, v7;
	[tilespmem:s15+$0x0] =	vst v29;
	v5 =	vmul.f32 v5, v5  }
0x11e: {  	v7 =	vor.u32 s18, v8;
	v55 =	vsub.f32 v55, v11;
	v59 =	vsub.f32 v59, v10;
	v56 =	vld [tilespmem:s21+$0x10]  }
0x11f: {  	v6 =	vmul.f32 v6, v6;
	v22 =	vsel vm5, v7, v25;
	v7 =	vld [tilespmem:s5+$0x10];
	v4 =	vadd.f32 v5, v4  }
0x120: {  	v63 =	vsub.f32 v26, v9;
	v5 =	vld [tilespmem:s1+$0x10];
	v25 =	vmul.f32 v55, v55;
	v59 =	vmul.f32 v59, v59  }
0x121: {  	vm5 =	vgt.f32 v62, v14;
	v1 =	vadd.f32 v1, v6;
	v26 =	vmin.f32 v60, v4;
	v4 =	vld [tilespmem:s9+$0xFFFFFFF0]  }
0x122: {  	vm13 =	vgt.f32 v29, v31;
	v55 =	vmul.f32 v63, v63;
	v25 =	vadd.f32 v25, v59;
	v59 =	vld [tilespmem:s16+$0x10];
	[tilespmem:s0+$0xFFFFFFF0] =	vst v26  }
0x123: {  	v53 =	vmul.f32 v53, v53;
	v18 =	vsel vm5, v28, v18;
	v6 =	vsub.f32 v56, v10;
	v56 =	vld [tilespmem:s17+$0x0]  }
0x124: {  	v60 =	vsel vm5, v62, v14;
	v7 =	vsub.f32 v7, v11;
	v14 =	vld [tilespmem:s28+$0x0];
	v25 =	vadd.f32 v55, v25  }
0x125: {  	v28 =	vsel vm11, v50, v20;
	v20 =	vld [tilespmem:s15+$0x10];
	v1 =	vadd.f32 v53, v1;
	v5 =	vsub.f32 v5, v9  }
0x126: {  	v6 =	vmul.f32 v6, v6;
	v7 =	vmul.f32 v7, v7;
	v25 =	vmin.f32 v4, v25;
	v4 =	vld [tilespmem:s11+$0x0]  }
0x127: {  	v50 =	vsel vm11, v23, v21;
	v29 =	vsel vm13, v29, v31;
	v27 =	vsel vm13, v45, v27;
	v55 =	vld [tilespmem:s25+$0x30];
	[tilespmem:s9+$0xFFFFFFF0] =	vst v25  }
0x128: {  	v1 =	vmin.f32 v59, v1;
	v5 =	vmul.f32 v5, v5;
	v6 =	vadd.f32 v7, v6;
	v7 =	vld [tilespmem:s13+$0x0]  }
0x129: {  	vm5 =	vgt.f32 v52, v17;
	[tilespmem:s16+$0x10] =	vst v1;
	v63 =	vsub.f32 v56, v10;
	v56 =	vsub.f32 v14, v11;
	v53 =	vld [tilespmem:s19+$0x0]  }
0x12a: {  	v45 =	vsel vm4, v13, v12;
	v14 =	vsel vm5, v52, v17;
	v17 =	vld [tilespmem:s6+$0x20];
	v5 =	vadd.f32 v5, v6  }
0x12b: {  	v62 =	vld [tilespmem:s12+$0x0];
	v6 =	vmul.f32 v63, v63;
	v59 =	vmul.f32 v56, v56;
	v4 =	vsub.f32 v4, v9  }
0x12c: {  	v0 =	vsub.f32 v0, v11;
	v16 =	vsel vm5, v49, v16;
	v49 =	vsub.f32 v57, v10;
	v63 =	vld [tilespmem:s0+$0x0]  }
0x12d: {  	v21 =	vld [tilespmem:s10+$0x20];
	v20 =	vmin.f32 v20, v5;
	v6 =	vadd.f32 v59, v6;
	v4 =	vmul.f32 v4, v4  }
0x12e: {  	vm14 =	vgt.f32 v26, v24;
	v0 =	vmul.f32 v0, v0;
	v5 =	vld [tilespmem:s29+$0x20];
	[tilespmem:s15+$0x10] =	vst v20;
	v7 =	vsub.f32 v7, v10  }
0x12f: {  	v49 =	vmul.f32 v49, v49;
	v53 =	vsub.f32 v53, v11;
	v56 =	vld [tilespmem:s21+$0x20];
	v4 =	vadd.f32 v4, v6  }
0x130: {  	vm5 =	vgt.f32 v51, v15;
	v55 =	vsub.f32 v55, v9;
	v62 =	vsub.f32 v62, v9;
	v6 =	vld [tilespmem:s5+$0x20]  }
0x131: {  	v7 =	vmul.f32 v7, v7;
	v53 =	vmul.f32 v53, v53;
	v23 =	vmin.f32 v63, v4;
	v4 =	vld [tilespmem:s9+$0x0]  }
0x132: {  	v0 =	vadd.f32 v0, v49;
	v51 =	vsel vm5, v51, v15;
	v55 =	vmul.f32 v55, v55;
	v63 =	vld [tilespmem:s1+$0x20]  }
0x133: {  	v15 =	vsub.f32 v17, v10;
	v59 =	vmul.f32 v62, v62;
	v7 =	vadd.f32 v53, v7;
	v53 =	vld [tilespmem:s30+$0x30];
	[tilespmem:s0+$0x0] =	vst v23  }
0x134: {  	v24 =	vsel vm14, v26, v24;
	v46 =	vsel vm14, v46, v54;
	v5 =	vsub.f32 v5, v11;
	v17 =	vld [tilespmem:s17+$0x10]  }
0x135: {  	v0 =	vadd.f32 v55, v0;
	v15 =	vmul.f32 v15, v15;
	v61 =	vld [tilespmem:s28+$0x10];
	v7 =	vadd.f32 v59, v7  }
0x136: {  	v62 =	vsub.f32 v21, v9;
	v5 =	vmul.f32 v5, v5;
	v55 =	vld [tilespmem:s11+$0x10];
	v6 =	vsub.f32 v6, v11  }
0x137: {  	v32 =	vsel vm5, v48, v32;
	v21 =	vmin.f32 v4, v7;
	v4 =	vld [tilespmem:s16+$0x20];
	v7 =	vsub.f32 v56, v10  }
0x138: {  	v5 =	vadd.f32 v5, v15;
	v15 =	vmul.f32 v62, v62;
	v6 =	vmul.f32 v6, v6;
	[tilespmem:s9+$0x0] =	vst v21  }
0x139: {  	v52 =	vsub.f32 v63, v9;
	v7 =	vmul.f32 v7, v7;
	v63 =	vld [tilespmem:s13+$0x10];
	v17 =	vsub.f32 v17, v10  }
0x13a: {  	v5 =	vadd.f32 v15, v5;
	v15 =	vmin.f32 v53, v0;
	v61 =	vsub.f32 v61, v11;
	v62 =	vld [tilespmem:s19+$0x10]  }
0x13b: {  	v52 =	vmul.f32 v52, v52;
	v6 =	vadd.f32 v6, v7;
	v7 =	vld [tilespmem:s15+$0x20];
	v17 =	vmul.f32 v17, v17  }
0x13c: {  	v48 =	vmul.f32 v61, v61;
	v0 =	vmin.f32 v4, v5;
	v4 =	vsub.f32 v55, v9;
	v5 =	vld [tilespmem:s12+$0x10]  }
0x13d: {  	vm10 =	vlt.s32 v16, v22;
	vm5 =	vgt.f32 v42, v60;
	v6 =	vadd.f32 v52, v6;
	v52 =	vld [tilespmem:s0+$0x10]  }
0x13e: {  	vm11 =	vgt.f32 v14, v19;
	[tilespmem:s16+$0x20] =	vst v0;
	v48 =	vadd.f32 v48, v17;
	v4 =	vmul.f32 v4, v4  }
0x13f: {  	v18 =	vsel vm5, v47, v18;
	v63 =	vsub.f32 v63, v10;
	v49 =	vsub.f32 v62, v11;
	v61 =	vld [tilespmem:s29+$0x30]  }
0x140: {  	vm15 =	vgt.f32 v23, v29;
	v53 =	vld [tilespmem:s6+$0x30];
	v6 =	vmin.f32 v7, v6;
	v4 =	vadd.f32 v4, v48  }
0x141: {  	v55 =	vld [tilespmem:s9+$0x10];
	v62 =	vmul.f32 v63, v63;
	v63 =	vmul.f32 v49, v49;
	v5 =	vsub.f32 v5, v9  }
0x142: {  	v23 =	vsel vm15, v23, v29;
	v27 =	vsel vm15, v38, v27;
	v7 =	vld [tilespmem:s10+$0x30];
	[tilespmem:s15+$0x20] =	vst v6;
	v4 =	vmin.f32 v52, v4  }
0x143: {  	vm4 =	vgt.f32 v15, v45;
	v48 =	vld [tilespmem:s21+$0x30];
	v12 =	vadd.f32 v63, v62;
	[tilespmem:s0+$0x10] =	vst v4;
	v5 =	vmul.f32 v5, v5  }
0x144: {  	vm9 =	vgt.f32 v21, v23;
	v17 =	vsel vm5, v42, v60;
	v59 =	vsub.f32 v61, v11;
	v60 =	vld [tilespmem:s17+$0x20]  }
0x145: {  	v30 =	vsel vm4, v40, v30;
	v58 =	vsub.f32 v53, v10;
	v5 =	vadd.f32 v5, v12;
	v12 =	vld [tilespmem:s28+$0x20]  }
0x146: {  	v21 =	vsel vm9, v21, v23;
	vm5 =	vgt.f32 v1, v28;
	v57 =	vld [tilespmem:s5+$0x30];
	v61 =	vmul.f32 v59, v59  }
0x147: {  	v62 =	vld [tilespmem:s11+$0x20];
	v40 =	vmul.f32 v58, v58;
	v7 =	vsub.f32 v7, v9;
	v5 =	vmin.f32 v55, v5  }
0x148: {  	v1 =	vsel vm5, v1, v28;
	v28 =	vsel vm5, v44, v50;
	vm5 =	vgt.f32 v0, v51;
	v63 =	vld [tilespmem:s16+$0x30];
	[tilespmem:s9+$0x10] =	vst v5  }
0x149: {  	v40 =	vadd.f32 v61, v40;
	v7 =	vmul.f32 v7, v7;
	v53 =	vsub.f32 v48, v10;
	v47 =	vld [tilespmem:s13+$0x20]  }
0x14a: {  	v0 =	vsel vm5, v0, v51;
	v55 =	vsub.f32 v60, v10;
	v56 =	vld [tilespmem:s19+$0x20];
	v12 =	vsub.f32 v12, v11  }
0x14b: {  	v32 =	vsel vm5, v43, v32;
	v42 =	vsub.f32 v57, v11;
	v7 =	vadd.f32 v7, v40  }
0x14c: {  	v31 =	vsub.f32 v62, v9;
	v62 =	vld [tilespmem:s12+$0x20];
	v60 =	vmul.f32 v55, v55;
	v61 =	vmul.f32 v12, v12  }
0x14d: {  	vm5 =	vgt.f32 v20, v1;
	v58 =	vmul.f32 v42, v42;
	v12 =	vmin.f32 v63, v7;
	v63 =	vld [tilespmem:s0+$0x20]  }
0x14e: {  	v57 =	vld [tilespmem:s1+$0x30];
	v59 =	vmul.f32 v53, v53;
	v31 =	vmul.f32 v31, v31;
	v52 =	vadd.f32 v61, v60  }
0x14f: {  	v1 =	vsel vm5, v20, v1;
	v54 =	vsub.f32 v47, v10;
	v55 =	vsub.f32 v56, v11  }
0x150: {  	v53 =	vsel vm4, v15, v45;
	v7 =	vadd.f32 v58, v59;
	v31 =	vadd.f32 v31, v52  }
0x151: {  	v58 =	vsub.f32 v62, v9;
	v43 =	vmul.f32 v54, v54;
	v44 =	vmul.f32 v55, v55  }
0x152: {  	v28 =	vsel vm5, v37, v28;
	v59 =	vld [tilespmem:s9+$0x20];
	vm4 =	vgt.f32 v12, v53;
	v26 =	vmin.f32 v63, v31  }
0x153: {  	v56 =	vsub.f32 v57, v9;
	v57 =	vld [tilespmem:s15+$0x30];
	v60 =	vmul.f32 v58, v58;
	v43 =	vadd.f32 v44, v43;
	[tilespmem:s0+$0x20] =	vst v26  }
0x154: {  	vm5 =	vgt.f32 v25, v24;
	v30 =	vsel vm4, v36, v30;
	v42 =	vsel vm4, v12, v53;
	v61 =	vld [tilespmem:s17+$0x30]  }
0x155: {  	vm4 =	vgt.f32 v6, v0;
	v47 =	vsel vm5, v41, v46;
	v62 =	vld [tilespmem:s28+$0x30];
	v63 =	vadd.f32 v60, v43  }
0x156: {  	v53 =	vsel vm9, v34, v27;
	v0 =	vsel vm4, v6, v0;
	v36 =	vmul.f32 v56, v56  }
0x157: {  	v48 =	vsel vm4, v39, v32;
	vm4 =	vgt.f32 v4, v1;
	v6 =	vmin.f32 v59, v63  }
0x158: {  	s10 =	sadd.s32 $0x70, s3;
	vm12 =	vlt.s32 v47, v18;
	v1 =	vsel vm4, v4, v1;
	v7 =	vadd.f32 v36, v7;
	v43 =	vld [tilespmem:s11+$0x30];
	[tilespmem:s9+$0x20] =	vst v6  }
0x159: {  	v4 =	vsel vm4, v33, v28;
	v56 =	vor.u32 s10, v8;
	vm4 =	vgt.f32 v26, v0;
	v49 =	vld [tilespmem:s13+$0x30]  }
0x15a: {  	v44 =	vmin.f32 v57, v7;
	v51 =	vld [tilespmem:s19+$0x30];
	v50 =	vsub.f32 v61, v10;
	v29 =	vsub.f32 v62, v11  }
0x15b: {  	v7 =	vsel vm5, v25, v24;
	s11 =	sadd.s32 $0x60, s3;
	v0 =	vsel vm4, v26, v0;
	vm5 =	vgt.f32 v44, v42;
	v55 =	vld [tilespmem:s12+$0x30]  }
0x15c: {  	v58 =	vor.u32 s11, v8;
	v29 =	vmul.f32 v29, v29;
	v32 =	vmul.f32 v50, v50  }
0x15d: {  	s8 =	smov.u32 s0;
	v30 =	vsel vm5, v35, v30;
	v52 =	vsel vm5, v44, v42;
	v54 =	vsub.f32 v43, v9  }
0x15e: {  	v57 =	vld [tilespmem:s8+$0x30];
	v25 =	vsel vm4, v58, v48;
	vm4 =	vgt.f32 v5, v1;
	v29 =	vadd.f32 v29, v32  }
0x15f: {  	s12 =	sadd.s32 $0x50, s18;
	v27 =	vmul.f32 v54, v54;
	v10 =	vsub.f32 v49, v10;
	v11 =	vsub.f32 v51, v11  }
0x160: {  	v1 =	vsel vm4, v5, v1;
	v59 =	vor.u32 s12, v8;
	v9 =	vsub.f32 v55, v9  }
0x161: {  	v60 =	vadd.f32 v27, v29;
	v11 =	vmul.f32 v11, v11;
	v10 =	vmul.f32 v10, v10  }
0x162: {  	vm13 =	veq.f32 v1, v21;
	v61 =	vld [tilespmem:s9+$0x30];
	v4 =	vsel vm4, v59, v4;
	vm4 =	vgt.f32 v6, v0  }
0x163: {  	v9 =	vmul.f32 v9, v9;
	v26 =	vmin.f32 v57, v60;
	v10 =	vadd.f32 v11, v10  }
0x164: {  	v0 =	vsel vm4, v6, v0;
	vm14 =	vlt.s32 v4, v53;
	vm5 =	vgt.f32 v26, v52  }
0x165: {  	s14 =	sadd.s32 $0x60, s18;
	s13 =	sadd.s32 $0x70, s18;
	v11 =	vsel vm5, v56, v30;
	v62 =	vsel vm5, v26, v52;
	v5 =	vadd.f32 v9, v10  }
0x166: {  	v9 =	vor.u32 s13, v8;
	v10 =	vor.u32 s14, v8;
	vm5 =	veq.f32 v14, v19  }
0x167: {  	vm5 =	vmand vm5, vm10;
	v6 =	vsel vm4, v10, v25;
	v5 =	vmin.f32 v61, v5  }
0x168: {  	vm4 =	vmor vm11, vm5;
	vm5 =	veq.f32 v7, v17;
	vm7 =	vgt.f32 v5, v62  }
0x169: {  	vm6 =	vmand vm13, vm14;
	vm5 =	vmand vm5, vm12;
	v9 =	vsel vm7, v9, v11  }
0x16a: {  	v11 =	vsel vm4, v14, v19;
	v14 =	vsel vm4, v16, v22;
	vm4 =	vgt.f32 v7, v17  }
0x16b: {  	v10 =	vsel vm7, v5, v62;
	vm4 =	vmor vm4, vm5;
	vm5 =	vgt.f32 v1, v21  }
0x16c: {  	vm15 =	veq.f32 v10, v0;
	vm9 =	vlt.s32 v9, v6;
	vm10 =	vgt.f32 v10, v0  }
0x16d: {  	vm5 =	vmor vm5, vm6;
	v7 =	vsel vm4, v7, v17;
	vm6 =	vmand vm15, vm9  }
0x16e: {  	v63 =	vsel vm4, v47, v18;
	v1 =	vsel vm5, v1, v21;
	vm4 =	vmor vm10, vm6  }
0x16f: {  	v4 =	vsel vm5, v4, v53;
	vm5 =	veq.f32 v7, v11;
	vm11 =	vlt.s32 v63, v14  }
0x170: {  	v0 =	vsel vm4, v10, v0;
	v6 =	vsel vm4, v9, v6;
	vm4 =	vgt.f32 v7, v11  }
0x171: {  	vm5 =	vmand vm5, vm11;
	vm12 =	veq.f32 v0, v1;
	vm13 =	vlt.s32 v6, v4  }
0x172: {  	vm4 =	vmor vm4, vm5;
	vm5 =	vgt.f32 v0, v1;
	vm6 =	vmand vm12, vm13  }
0x173: {  	v7 =	vsel vm4, v7, v11;
	vm5 =	vmor vm5, vm6  }
0x174: {  	v9 =	vsel vm4, v63, v14;
	v0 =	vsel vm5, v0, v1;
	v1 =	vsel vm5, v6, v4  }
0x175: {  	vm4 =	veq.f32 v0, v7;
	vm5 =	vlt.s32 v1, v9  }
0x176: {  	vm14 =	vgt.f32 v0, v7;
	vm4 =	vmand vm4, vm5  }
0x177: {  	vm4 =	vmor vm14, vm4  }
0x178: {  	v0 =	vsel vm4, v0, v7  }
0x179: {  	(xrf0) =	vmax.scan.msk.f32 $0xffff, v0;
	_ =	sdelay $0x5  }
0x17a: {  	v4, _, _ =	vpop (xrf0)  }
0x17b: {  	v4 =	vbroadcast v4, $0xF  }
0x17c: {  	v1 =	vsel vm4, v1, v9  }
0x17d: {  	vm4 =	veq.f32 v0, v4;
	v0 =	vxor.u32 $0x80000000, v1  }
0x17e: {  	v0 =	vnsel vm4, $0x80004000, v0  }
0x17f: {  	(xrf0) =	vmin.scan.msk.u32 $0xffff, v0;
	_ =	sdelay $0x5  }
0x180: {  	v0, _, _ =	vpop (xrf0)  }
0x181: {  	(v2sf) =	vpush v0, $0xF;
	_ =	sdelay $0xe  }
0x182: {  	s17 =	spop (v2sf)  }
0x183: {  	s0 =	sxor.u32 $0x80000000, s17  }
0x184: {  	s18 =	ssub.s32 s0, s7  }
0x185: {  	s19 =	sshra.s32 s18, $0x1F  }
0x186: {  	s4 =	simm.s32 $0x1;
	p1 =	sne.s32 s0, s7;
	s20 =	sshrl.u32 s19, $0x1C  }
0x187: {  	s4 =	simm.s32 @!p1 $0x0;
	s3 =	sadd.s32 s20, s18  }
0x188: {  	s2 =	sor.u32 s4, s19;
	s21 =	sand.u32 $0xFFFFFFF0, s3  }
0x189: {  	[tilespmem:s22+$0x30] =	vst v13;
	p6 =	sne.s32 s2, $0x1;
	p2 =	sne.s32 s18, s21  }
0x18a: {  	[tilespmem:s30+$0x30] =	vst v15;
	p1 =	por !p2, !p6  }
0x18b: {  	[tilespmem:s16+$0x30] =	vst v12;
	s2 =	simm.s32 $0x1;
	p1 =	por !p1, !p1  }
0x18c: {  	[tilespmem:s15+$0x30] =	vst v44;
	s3 =	sshrl.u32 s3, $0x4;
	s2 =	simm.s32 @!p1 $0x0  }
0x18d: {  	[tilespmem:s8+$0x30] =	vst v26;
	s2 =	ssub.s32 s3, s2  }
0x18e: {  	[tilespmem:s9+$0x30] =	vst v5;
	s2 =	sshll.u32 s2, $0x4  }
0x18f: {  	v0 =	vld [tilespmem:s2+$0x0]  }
0x190: {  	v1 =	vld [tilespmem:s2+$0x2000]  }
0x191: {  	v5 =	vld [tilespmem:s2+$0x4000]  }
0x192: {  	s1 =	sand.u32 $0xF, s18  }
0x193: {  	v6 =	vmov s1  }
0x194: {  	v0 =	vperm.xlane v0, v6  }
0x195: {  	v1 =	vperm.xlane v1, v6  }
0x196: {  	s22 =	rddreg [dreg:$0x13];
	v5 =	vperm.xlane v5, v6;
	v0 =	vsel vm0, v4, v0  }
0x197: {  	s23 =	sshll.u32 s22, $0x8;
	v0 =	vsel vm1, v0, v1  }
0x198: {  	s25 =	rddreg [dreg:$0x2];
	s24 =	sand.u32 $0x100, s23;
	v1 =	vmov s0;
	v0 =	vsel vm2, v0, v5  }
0x199: {  	s26 =	rddreg [dreg:$0xb];
	s0 =	sadd.s32 s24, s25;
	v0 =	vsel vm3, v0, v1  }
0x19a: {  	s29 =	simm.s32 $0x1;
	s28 =	simm.s32 $0x9000;
	s1 =	sadd.s32 s26, s0;
	[tilespmem:$0x9000] =	vst v0  }
0x19b: {  	[spmem:s1] =	stream.linear.scatter [tilespmem:s28], [sflag:$0x1], $0x10, $0x38;
	[tilespmem:$0x9120] =	vst v63  }
0x19c: {  	_ =	swait.ge [sflag:s29], $0x10  }
0x19d: {  	[sflag:s29] =	ssyncset.done $0x0  }
0x19e: {  	[sflag:s29] =	ssyncadd.s32 $0xFFFFFFF0  }
0x19f: {  	[bflag:$0x0] =	sbarrier.arrive $0xFFFF  }
0x1a0: {  	s30 =	rddreg [dreg:$0xc]  }
0x1a1: {  	s31 =	simm.s32 $0x9080;
	s0 =	sadd.s32 s30, s0  }
0x1a2: {  	[tilespmem:s31], [sflag:$0x1] =	stream.linear.gather [spmem:s0], $0x10, $0x38;
	[tilespmem:$0x9120] =	vst v63  }
0x1a3: {  	_ =	swait.ge [sflag:s29], $0x10  }
0x1a4: {  	[sflag:s29] =	ssyncset.done $0x0  }
0x1a5: {  	[sflag:s29] =	ssyncadd.s32 $0xFFFFFFF0  }
0x1a6: {  	v5 =	vld [tilespmem:$0x9080];
	_ =	sdelay $0x3  }
0x1a7: {  	v7 =	vimm.s32 $0x4  }
0x1a8: {  	v6 =	vperm.xlane v5, v3;
	v7 =	vperm.xlane v5, v7;
	_ =	sdelay $0x1  }
0x1a9: {  	s3 =	sadd.s32 $0x1, s22;
	vm4 =	veq.f32 v6, v4;
	vm5 =	vgt.s32 v1, v7  }
0x1aa: {  	p1 =	sne.s32 s3, $0x100;
	vm15 =	vgt.f32 v6, v4;
	vm4 =	vmand vm4, vm5  }
.Ltmp2:
0x1ab: {  	vm4 =	vmor vm15, vm4;
	(pc) =	sbr.rel @p1 .LBB2_4-.Ltmp2, $4  }
0x1ac: {  	v12 =	vsel vm4, v5, v0;
	v0 =	vimm.s32 $0x1  }
0x1ad: {  	v10 =	vperm.xlane v12, v0;
	v0 =	vimm.s32 $0x2  }
0x1ae: {  	v11 =	vperm.xlane v12, v0;
	v0 =	vimm.s32 $0x3  }
0x1af: {  	v9 =	vperm.xlane v12, v0  }
0x1b0: {  	s0 =	simm.s32 @!p0 $0x0;
	s1 =	simm.s32 @!p0 $0x8000;
	s2 =	rddreg [dreg:$0x10]  }
0x1b1: {  	[hbm4b:s2+s0] =	stream.linear.scatter @!p0 [tilespmem:s1], [sflag:$0x1], $0x1000, $0x38;
	[tilespmem:$0x9120] =	vst v63  }
0x1b2: {  	s0 =	simm.s32 @!p0 $0x1  }
0x1b3: {  	_ =	swait.ge @!p0 [sflag:s0], $0x1000  }
0x1b4: {  	s30 =	rddreg [dreg:$0x12]  }
0x1b5: {  	s31 =	rddreg [dreg:$0x11];
	s2 =	sadd.s32 $0x1, s30  }
0x1b6: {  	p1 =	sne.s32 s2, s31  }
.Ltmp3:
0x1b7: {  	_ = 	snop;
	(pc) =	sbr.rel @p1 .LBB2_1-.Ltmp3, $3  }
0x1b8: {  	_ =	sdelay $0x1  }
0x1b9: {  	[sflag:s0] =	ssyncset.done @!p0 $0x0  }
0x1ba: {  	[sflag:s0] =	ssyncadd.s32 @!p0 $0xFFFFF000  }
0x1bb: {  	_ =	sfence.sel $0x180000  }
0x1bc: {  	[bflag:$0x0] =	sbarrier.arrive $0xFFFF  }
0x1bd: {  	_ =	strace $0x90000047  }
0x1be: {  	s0 =	stileid.u32;
	[bflag:$0x2] =	sbarrier.arrive $0xFFFF  }
0x1bf: {  	p0 =	sne.s32 s0, $0x0;
	s0 =	rddreg [dreg:$0x3]  }
0x1c0: {  	s0 =	sadd.s32 @!p0 $0x100000, s0  }
0x1c1: {  	[sflag:s0] =	ssyncadd.tile.s32 @!p0 $0x1;
	_ =	shalt  }
.Lfunc_end2:
_tile_overlayer_lowered:
.L_overlay_start_2:
0x1c2: {  	(tag) =	ssettag $0x2  }
0x1c3: {  	s0 =	rddreg [dreg:$0x0];
	s2 =	stileid.u32  }
0x1c4: {  	s1 =	rddreg [dreg:$0x1];
	p0 =	sne.s32 s2, $0x0  }
0x1c5: {  	s3 =	rddreg [dreg:$0x2];
	[bflag:$0x3] =	sbarrier.arrive $0xFFFF;
	s2 =	simm.s32 @!p0 $0x1C01  }
0x1c6: {  	[timem:s3], [sflag:s2] =	dma.local @!p0 [hbm:s0], s1  }
0x1c7: {  	s0 =	simm.s32 @!p0 $0x1  }
0x1c8: {  	_ =	swait.ge @!p0 [sflag:s0], s1  }
0x1c9: {  	s1 =	ssub.s32 @!p0 $0x0, s1;
	[sflag:s0] =	ssyncset.done @!p0 $0x0  }
0x1ca: {  	[sflag:s0] =	ssyncadd.s32 @!p0 s1  }
0x1cb: {  	[bflag:$0x3] =	sbarrier.arrive $0xFFFF  }
0x1cc: {  	_ =	shalt  }

</sc_bundles>
